<compile_context>
chip_gen: v7x
topology: tpu7x:2x2x1
jax: 0.10.2.dev20260603
libtpu: 0.0.44.dev20260713+nightly
codegen_flags: <defaults>
</compile_context>

<pallas_src>
import functools

import jax
import jax.numpy as jnp
from jax import lax
from jax.experimental import pallas as pl
from jax.experimental.pallas import tpu as pltpu
from jax.experimental.pallas import tpu_sc as plsc

_I = 3
_J = 700
_ROWS = 16384
_COLS = 1024
_NW = 32
_RPW = _ROWS // _NW
_CH = 32
_NCH = _RPW // _CH


def _cs_body(theta_ref, o_ref):
    t = theta_ref[0]
    c = jnp.cos(2.0 * t)
    s = jnp.sin(2.0 * t)
    o_ref[...] = jnp.concatenate(
        [jnp.full((4, 128), c, jnp.float32), jnp.full((4, 128), s, jnp.float32)])


def _sc_body(x_hbm, cs_hbm, o_hbm, b0, b1, csv, si0, si1, so0, so1):
    wid = lax.axis_index("s") * 2 + lax.axis_index("c")
    base = wid * _RPW
    pltpu.sync_copy(cs_hbm, csv)
    c16 = csv[0, 0:16]
    s16 = csv[4, 0:16]
    bufs = (b0, b1)
    isems = (si0, si1)
    osems = (so0, so1)

    def in_cp(k):
        return pltpu.make_async_copy(
            x_hbm.at[pl.ds(base + k * _CH, _CH), :], bufs[k % 2], isems[k % 2])

    def out_cp(k):
        return pltpu.make_async_copy(
            bufs[k % 2], o_hbm.at[pl.ds(base + k * _CH, _CH), :], osems[k % 2])

    def fix(buf):
        ci = jnp.full((16,), _I, jnp.int32)
        cj = jnp.full((16,), _J, jnp.int32)
        for g in range(_CH // 16):
            rows = jax.lax.iota(jnp.int32, 16) + (g * 16)
            xi = plsc.load_gather(buf, [rows, ci])
            xj = plsc.load_gather(buf, [rows, cj])
            plsc.store_scatter(buf, [rows, ci], xi * c16 + xj * s16)
            plsc.store_scatter(buf, [rows, cj], xi * s16 - xj * c16)

    in_cp(0).start()
    for k in range(_NCH):
        in_cp(k).wait()
        fix(bufs[k % 2])
        out_cp(k).start()
        if k + 1 < _NCH:
            if k >= 1:
                out_cp(k - 1).wait()
            in_cp(k + 1).start()
    out_cp(_NCH - 2).wait()
    out_cp(_NCH - 1).wait()


def kernel(x, theta):
    theta_arr = jnp.reshape(theta, (1,)).astype(jnp.float32)
    cs = pl.pallas_call(
        _cs_body,
        in_specs=[pl.BlockSpec(memory_space=pltpu.SMEM)],
        out_shape=jax.ShapeDtypeStruct((8, 128), jnp.float32),
    )(theta_arr)
    mesh = plsc.VectorSubcoreMesh(core_axis_name="c", subcore_axis_name="s")
    sc = functools.partial(
        pl.kernel,
        out_type=jax.ShapeDtypeStruct((_ROWS, _COLS), jnp.float32),
        mesh=mesh,
        compiler_params=pltpu.CompilerParams(needs_layout_passes=False),
        scratch_types=[
            pltpu.VMEM((_CH, _COLS), jnp.float32),
            pltpu.VMEM((_CH, _COLS), jnp.float32),
            pltpu.VMEM((8, 128), jnp.float32),
            pltpu.SemaphoreType.DMA,
            pltpu.SemaphoreType.DMA,
            pltpu.SemaphoreType.DMA,
            pltpu.SemaphoreType.DMA,
        ],
    )(_sc_body)
    return sc(x, cs)

# --- scband reference (transcript-rebuilt; emitter-appended) ---
"""Pipeline reference for scband-hwpblock-69088843923811 (READ-ONLY COPY).

The authoritative reference and input builder live on the scoring server;
editing this copy changes nothing except your own understanding.
"""

import jax, jax.numpy as jnp
import numpy as np

I = 3
J = 700

def setup_inputs(seed: int = 0) -> dict:
    key = jax.random.key(seed)
    kx, kt = jax.random.split(key)
    x = jax.random.normal(kx, (16384, 1024), dtype=jnp.float32)
    theta = jax.random.normal(kt, (), dtype=jnp.float32) * jnp.pi
    return {"x": x, "theta": theta}

def reference(x, theta):
    xi = x[:, I]
    xj = x[:, J]
    c = jnp.cos(2.0 * theta)
    s = jnp.sin(2.0 * theta)
    # vec @ U.T with U = [[c, s], [s, -c]]
    out0 = xi * c + xj * s
    out1 = xi * s - xj * c
    x = x.at[:, I].set(out0)
    x = x.at[:, J].set(out1)
    return x

if __name__ == "__main__":
    import jax
    _d = setup_inputs()
    print(jax.jit(kernel)(*tuple(_d.values())))

</pallas_src>

<mosaic_0001>
#map = affine_map<(d0, d1) -> (0, 0)>
module attributes {stable_mosaic.version = 14 : i64} {
  func.func @_sc_body(%arg0: i32, %arg1: i32, %arg2: memref<16384x1024xf32, #tpu.memory_space<hbm>>, %arg3: memref<8x128xf32, #tpu.memory_space<hbm>>, %arg4: memref<16384x1024xf32, #tpu.memory_space<hbm>>, %arg5: memref<32x1024xf32, #tpu.memory_space<vmem>>, %arg6: memref<32x1024xf32, #tpu.memory_space<vmem>>, %arg7: memref<8x128xf32, #tpu.memory_space<vmem>>, %arg8: memref<!tpu.dma_semaphore, #tpu.memory_space<semaphore_mem>>, %arg9: memref<!tpu.dma_semaphore, #tpu.memory_space<semaphore_mem>>, %arg10: memref<!tpu.dma_semaphore, #tpu.memory_space<semaphore_mem>>, %arg11: memref<!tpu.dma_semaphore, #tpu.memory_space<semaphore_mem>>) attributes {dimension_semantics = [#tpu.dimension_semantics<core_parallel>, #tpu.dimension_semantics<subcore_parallel>], iteration_bounds = array<i64: 2, 16>, scalar_prefetch = 0 : i64, scratch_operands = 7 : i64, tpu.core_type = #tpu.core_type<sc_vector_subcore>, window_params = [{transform_indices = #map}, {transform_indices = #map}, {transform_indices = #map}]} {
    %mul3A = arith.constant 2 : i32
    %mul3A_0 = arith.muli %arg1, %mul3A : i32
    %add3A = arith.addi %mul3A_0, %arg0 : i32
    %mul3A_1 = arith.constant 512 : i32
    %mul3A_2 = arith.muli %add3A, %mul3A_1 : i32
    "tpu.region"() ({
      %run_scoped3A = tpu.sem_alloc : memref<!tpu.dma_semaphore, #tpu.memory_space<semaphore_mem>>
      tpu.enqueue_dma source(%arg3 : memref<8x128xf32, #tpu.memory_space<hbm>>) target(%arg7 : memref<8x128xf32, #tpu.memory_space<vmem>>) target_semaphore(%run_scoped3A : memref<!tpu.dma_semaphore, #tpu.memory_space<semaphore_mem>>)
      tpu.wait_dma2 semaphore(%run_scoped3A : memref<!tpu.dma_semaphore, #tpu.memory_space<semaphore_mem>>) src(%arg3 : memref<8x128xf32, #tpu.memory_space<hbm>>) dst(%arg7 : memref<8x128xf32, #tpu.memory_space<vmem>>)
      tpu.yield
    }) : () -> ()
    %get3A = arith.constant 0 : i32
    %get3A_3 = arith.index_cast %get3A : i32 to index
    %get3A_4 = arith.constant 0 : index
    %get3A_5 = tpu.vector_load %arg7[%get3A_3, %get3A_4] {strides = array<i32>} : memref<8x128xf32, #tpu.memory_space<vmem>>, vector<16xf32>,
    %get3A_6 = arith.constant 4 : i32
    %get3A_7 = arith.index_cast %get3A_6 : i32 to index
    %get3A_8 = arith.constant 0 : index
    %get3A_9 = tpu.vector_load %arg7[%get3A_7, %get3A_8] {strides = array<i32>} : memref<8x128xf32, #tpu.memory_space<vmem>>, vector<16xf32>,
    %add3A_10 = arith.constant 0 : i32
    %add3A_11 = arith.addi %mul3A_2, %add3A_10 : i32
    %dma_start3A = arith.constant 0 : i32
    %dma_start3A_12 = tpu.memref_slice %arg2[%add3A_11, %dma_start3A] : memref<16384x1024xf32, #tpu.memory_space<hbm>> -> memref<32x1024xf32, #tpu.memory_space<hbm>>
    %dma_start3A_13 = arith.constant 0 : i32
    %dma_start3A_14 = tpu.memref_slice %arg2[%add3A_11, %dma_start3A_13] : memref<16384x1024xf32, #tpu.memory_space<hbm>> -> memref<32x1024xf32, #tpu.memory_space<hbm>>
    tpu.enqueue_dma source(%dma_start3A_14 : memref<32x1024xf32, #tpu.memory_space<hbm>>) target(%arg5 : memref<32x1024xf32, #tpu.memory_space<vmem>>) target_semaphore(%arg8 : memref<!tpu.dma_semaphore, #tpu.memory_space<semaphore_mem>>)
    %add3A_15 = arith.constant 0 : i32
    %add3A_16 = arith.addi %mul3A_2, %add3A_15 : i32
    %dma_wait3A = arith.constant 0 : i32
    %dma_wait3A_17 = tpu.memref_slice %arg2[%add3A_16, %dma_wait3A] : memref<16384x1024xf32, #tpu.memory_space<hbm>> -> memref<32x1024xf32, #tpu.memory_space<hbm>>
    %dma_wait3A_18 = arith.constant 0 : i32
    %dma_wait3A_19 = tpu.memref_slice %arg2[%add3A_16, %dma_wait3A_18] : memref<16384x1024xf32, #tpu.memory_space<hbm>> -> memref<32x1024xf32, #tpu.memory_space<hbm>>
    tpu.wait_dma2 semaphore(%arg8 : memref<!tpu.dma_semaphore, #tpu.memory_space<semaphore_mem>>) src(%dma_wait3A_19 : memref<32x1024xf32, #tpu.memory_space<hbm>>) dst(%arg5 : memref<32x1024xf32, #tpu.memory_space<vmem>>)
    %broadcast_in_dim3A = arith.constant 3 : i32
    %broadcast_in_dim3A_20 = vector.broadcast %broadcast_in_dim3A : i32 to vector<16xi32>
    %broadcast_in_dim3A_21 = arith.constant 700 : i32
    %broadcast_in_dim3A_22 = vector.broadcast %broadcast_in_dim3A_21 : i32 to vector<16xi32>
    %iota3A = tpu.iota {dimensions = array<i32: 0>} : vector<16xi32>
    %add3A_23 = arith.constant 0 : i32
    %add3A_24 = vector.broadcast %add3A_23 : i32 to vector<16xi32>
    %add3A_25 = arith.addi %iota3A, %add3A_24 : vector<16xi32>
    %gather3A = tpu.vector_load_idx %arg5[%add3A_25, %broadcast_in_dim3A_20] : memref<32x1024xf32, #tpu.memory_space<vmem>>[vector<16xi32>, vector<16xi32>], vector<16xf32>,
    %gather3A_26 = tpu.vector_load_idx %arg5[%add3A_25, %broadcast_in_dim3A_22] : memref<32x1024xf32, #tpu.memory_space<vmem>>[vector<16xi32>, vector<16xi32>], vector<16xf32>,
    %mul3A_27 = arith.mulf %gather3A, %get3A_5 : vector<16xf32>
    %mul3A_28 = arith.mulf %gather3A_26, %get3A_9 : vector<16xf32>
    %add3A_29 = arith.addf %mul3A_27, %mul3A_28 : vector<16xf32>
    tpu.vector_store_idx %arg5[%add3A_25, %broadcast_in_dim3A_20], %add3A_29 : memref<32x1024xf32, #tpu.memory_space<vmem>>[vector<16xi32>, vector<16xi32>], vector<16xf32>,
    %mul3A_30 = arith.mulf %gather3A, %get3A_9 : vector<16xf32>
    %mul3A_31 = arith.mulf %gather3A_26, %get3A_5 : vector<16xf32>
    %sub3A = arith.subf %mul3A_30, %mul3A_31 : vector<16xf32>
    tpu.vector_store_idx %arg5[%add3A_25, %broadcast_in_dim3A_22], %sub3A : memref<32x1024xf32, #tpu.memory_space<vmem>>[vector<16xi32>, vector<16xi32>], vector<16xf32>,
    %iota3A_32 = tpu.iota {dimensions = array<i32: 0>} : vector<16xi32>
    %add3A_33 = arith.constant 16 : i32
    %add3A_34 = vector.broadcast %add3A_33 : i32 to vector<16xi32>
    %add3A_35 = arith.addi %iota3A_32, %add3A_34 : vector<16xi32>
    %gather3A_36 = tpu.vector_load_idx %arg5[%add3A_35, %broadcast_in_dim3A_20] : memref<32x1024xf32, #tpu.memory_space<vmem>>[vector<16xi32>, vector<16xi32>], vector<16xf32>,
    %gather3A_37 = tpu.vector_load_idx %arg5[%add3A_35, %broadcast_in_dim3A_22] : memref<32x1024xf32, #tpu.memory_space<vmem>>[vector<16xi32>, vector<16xi32>], vector<16xf32>,
    %mul3A_38 = arith.mulf %gather3A_36, %get3A_5 : vector<16xf32>
    %mul3A_39 = arith.mulf %gather3A_37, %get3A_9 : vector<16xf32>
    %add3A_40 = arith.addf %mul3A_38, %mul3A_39 : vector<16xf32>
    tpu.vector_store_idx %arg5[%add3A_35, %broadcast_in_dim3A_20], %add3A_40 : memref<32x1024xf32, #tpu.memory_space<vmem>>[vector<16xi32>, vector<16xi32>], vector<16xf32>,
    %mul3A_41 = arith.mulf %gather3A_36, %get3A_9 : vector<16xf32>
    %mul3A_42 = arith.mulf %gather3A_37, %get3A_5 : vector<16xf32>
    %sub3A_43 = arith.subf %mul3A_41, %mul3A_42 : vector<16xf32>
    tpu.vector_store_idx %arg5[%add3A_35, %broadcast_in_dim3A_22], %sub3A_43 : memref<32x1024xf32, #tpu.memory_space<vmem>>[vector<16xi32>, vector<16xi32>], vector<16xf32>,
    %add3A_44 = arith.constant 0 : i32
    %add3A_45 = arith.addi %mul3A_2, %add3A_44 : i32
    %dma_start3A_46 = arith.constant 0 : i32
    %dma_start3A_47 = tpu.memref_slice %arg4[%add3A_45, %dma_start3A_46] : memref<16384x1024xf32, #tpu.memory_space<hbm>> -> memref<32x1024xf32, #tpu.memory_space<hbm>>
    %dma_start3A_48 = arith.constant 0 : i32
    %dma_start3A_49 = tpu.memref_slice %arg4[%add3A_45, %dma_start3A_48] : memref<16384x1024xf32, #tpu.memory_space<hbm>> -> memref<32x1024xf32, #tpu.memory_space<hbm>>
    tpu.enqueue_dma source(%arg5 : memref<32x1024xf32, #tpu.memory_space<vmem>>) target(%dma_start3A_49 : memref<32x1024xf32, #tpu.memory_space<hbm>>) target_semaphore(%arg10 : memref<!tpu.dma_semaphore, #tpu.memory_space<semaphore_mem>>)
    %add3A_50 = arith.constant 32 : i32
    %add3A_51 = arith.addi %mul3A_2, %add3A_50 : i32
    %dma_start3A_52 = arith.constant 0 : i32
    %dma_start3A_53 = tpu.memref_slice %arg2[%add3A_51, %dma_start3A_52] : memref<16384x1024xf32, #tpu.memory_space<hbm>> -> memref<32x1024xf32, #tpu.memory_space<hbm>>
    %dma_start3A_54 = arith.constant 0 : i32
    %dma_start3A_55 = tpu.memref_slice %arg2[%add3A_51, %dma_start3A_54] : memref<16384x1024xf32, #tpu.memory_space<hbm>> -> memref<32x1024xf32, #tpu.memory_space<hbm>>
    tpu.enqueue_dma source(%dma_start3A_55 : memref<32x1024xf32, #tpu.memory_space<hbm>>) target(%arg6 : memref<32x1024xf32, #tpu.memory_space<vmem>>) target_semaphore(%arg9 : memref<!tpu.dma_semaphore, #tpu.memory_space<semaphore_mem>>)
    %add3A_56 = arith.constant 32 : i32
    %add3A_57 = arith.addi %mul3A_2, %add3A_56 : i32
    %dma_wait3A_58 = arith.constant 0 : i32
    %dma_wait3A_59 = tpu.memref_slice %arg2[%add3A_57, %dma_wait3A_58] : memref<16384x1024xf32, #tpu.memory_space<hbm>> -> memref<32x1024xf32, #tpu.memory_space<hbm>>
    %dma_wait3A_60 = arith.constant 0 : i32
    %dma_wait3A_61 = tpu.memref_slice %arg2[%add3A_57, %dma_wait3A_60] : memref<16384x1024xf32, #tpu.memory_space<hbm>> -> memref<32x1024xf32, #tpu.memory_space<hbm>>
    tpu.wait_dma2 semaphore(%arg9 : memref<!tpu.dma_semaphore, #tpu.memory_space<semaphore_mem>>) src(%dma_wait3A_61 : memref<32x1024xf32, #tpu.memory_space<hbm>>) dst(%arg6 : memref<32x1024xf32, #tpu.memory_space<vmem>>)
    %broadcast_in_dim3A_62 = arith.constant 3 : i32
    %broadcast_in_dim3A_63 = vector.broadcast %broadcast_in_dim3A_62 : i32 to vector<16xi32>
    %broadcast_in_dim3A_64 = arith.constant 700 : i32
    %broadcast_in_dim3A_65 = vector.broadcast %broadcast_in_dim3A_64 : i32 to vector<16xi32>
    %iota3A_66 = tpu.iota {dimensions = array<i32: 0>} : vector<16xi32>
    %add3A_67 = arith.constant 0 : i32
    %add3A_68 = vector.broadcast %add3A_67 : i32 to vector<16xi32>
    %add3A_69 = arith.addi %iota3A_66, %add3A_68 : vector<16xi32>
    %gather3A_70 = tpu.vector_load_idx %arg6[%add3A_69, %broadcast_in_dim3A_63] : memref<32x1024xf32, #tpu.memory_space<vmem>>[vector<16xi32>, vector<16xi32>], vector<16xf32>,
    %gather3A_71 = tpu.vector_load_idx %arg6[%add3A_69, %broadcast_in_dim3A_65] : memref<32x1024xf32, #tpu.memory_space<vmem>>[vector<16xi32>, vector<16xi32>], vector<16xf32>,
    %mul3A_72 = arith.mulf %gather3A_70, %get3A_5 : vector<16xf32>
    %mul3A_73 = arith.mulf %gather3A_71, %get3A_9 : vector<16xf32>
    %add3A_74 = arith.addf %mul3A_72, %mul3A_73 : vector<16xf32>
    tpu.vector_store_idx %arg6[%add3A_69, %broadcast_in_dim3A_63], %add3A_74 : memref<32x1024xf32, #tpu.memory_space<vmem>>[vector<16xi32>, vector<16xi32>], vector<16xf32>,
    %mul3A_75 = arith.mulf %gather3A_70, %get3A_9 : vector<16xf32>
    %mul3A_76 = arith.mulf %gather3A_71, %get3A_5 : vector<16xf32>
    %sub3A_77 = arith.subf %mul3A_75, %mul3A_76 : vector<16xf32>
    tpu.vector_store_idx %arg6[%add3A_69, %broadcast_in_dim3A_65], %sub3A_77 : memref<32x1024xf32, #tpu.memory_space<vmem>>[vector<16xi32>, vector<16xi32>], vector<16xf32>,
    %iota3A_78 = tpu.iota {dimensions = array<i32: 0>} : vector<16xi32>
    %add3A_79 = arith.constant 16 : i32
    %add3A_80 = vector.broadcast %add3A_79 : i32 to vector<16xi32>
    %add3A_81 = arith.addi %iota3A_78, %add3A_80 : vector<16xi32>
    %gather3A_82 = tpu.vector_load_idx %arg6[%add3A_81, %broadcast_in_dim3A_63] : memref<32x1024xf32, #tpu.memory_space<vmem>>[vector<16xi32>, vector<16xi32>], vector<16xf32>,
    %gather3A_83 = tpu.vector_load_idx %arg6[%add3A_81, %broadcast_in_dim3A_65] : memref<32x1024xf32, #tpu.memory_space<vmem>>[vector<16xi32>, vector<16xi32>], vector<16xf32>,
    %mul3A_84 = arith.mulf %gather3A_82, %get3A_5 : vector<16xf32>
    %mul3A_85 = arith.mulf %gather3A_83, %get3A_9 : vector<16xf32>
    %add3A_86 = arith.addf %mul3A_84, %mul3A_85 : vector<16xf32>
    tpu.vector_store_idx %arg6[%add3A_81, %broadcast_in_dim3A_63], %add3A_86 : memref<32x1024xf32, #tpu.memory_space<vmem>>[vector<16xi32>, vector<16xi32>], vector<16xf32>,
    %mul3A_87 = arith.mulf %gather3A_82, %get3A_9 : vector<16xf32>
    %mul3A_88 = arith.mulf %gather3A_83, %get3A_5 : vector<16xf32>
    %sub3A_89 = arith.subf %mul3A_87, %mul3A_88 : vector<16xf32>
    tpu.vector_store_idx %arg6[%add3A_81, %broadcast_in_dim3A_65], %sub3A_89 : memref<32x1024xf32, #tpu.memory_space<vmem>>[vector<16xi32>, vector<16xi32>], vector<16xf32>,
    %add3A_90 = arith.constant 32 : i32
    %add3A_91 = arith.addi %mul3A_2, %add3A_90 : i32
    %dma_start3A_92 = arith.constant 0 : i32
    %dma_start3A_93 = tpu.memref_slice %arg4[%add3A_91, %dma_start3A_92] : memref<16384x1024xf32, #tpu.memory_space<hbm>> -> memref<32x1024xf32, #tpu.memory_space<hbm>>
    %dma_start3A_94 = arith.constant 0 : i32
    %dma_start3A_95 = tpu.memref_slice %arg4[%add3A_91, %dma_start3A_94] : memref<16384x1024xf32, #tpu.memory_space<hbm>> -> memref<32x1024xf32, #tpu.memory_space<hbm>>
    tpu.enqueue_dma source(%arg6 : memref<32x1024xf32, #tpu.memory_space<vmem>>) target(%dma_start3A_95 : memref<32x1024xf32, #tpu.memory_space<hbm>>) target_semaphore(%arg11 : memref<!tpu.dma_semaphore, #tpu.memory_space<semaphore_mem>>)
    %add3A_96 = arith.constant 0 : i32
    %add3A_97 = arith.addi %mul3A_2, %add3A_96 : i32
    %dma_wait3A_98 = arith.constant 0 : i32
    %dma_wait3A_99 = tpu.memref_slice %arg4[%add3A_97, %dma_wait3A_98] : memref<16384x1024xf32, #tpu.memory_space<hbm>> -> memref<32x1024xf32, #tpu.memory_space<hbm>>
    %dma_wait3A_100 = arith.constant 0 : i32
    %dma_wait3A_101 = tpu.memref_slice %arg4[%add3A_97, %dma_wait3A_100] : memref<16384x1024xf32, #tpu.memory_space<hbm>> -> memref<32x1024xf32, #tpu.memory_space<hbm>>
    tpu.wait_dma2 semaphore(%arg10 : memref<!tpu.dma_semaphore, #tpu.memory_space<semaphore_mem>>) src(%arg5 : memref<32x1024xf32, #tpu.memory_space<vmem>>) dst(%dma_wait3A_101 : memref<32x1024xf32, #tpu.memory_space<hbm>>)
    %add3A_102 = arith.constant 64 : i32
    %add3A_103 = arith.addi %mul3A_2, %add3A_102 : i32
    %dma_start3A_104 = arith.constant 0 : i32
    %dma_start3A_105 = tpu.memref_slice %arg2[%add3A_103, %dma_start3A_104] : memref<16384x1024xf32, #tpu.memory_space<hbm>> -> memref<32x1024xf32, #tpu.memory_space<hbm>>
    %dma_start3A_106 = arith.constant 0 : i32
    %dma_start3A_107 = tpu.memref_slice %arg2[%add3A_103, %dma_start3A_106] : memref<16384x1024xf32, #tpu.memory_space<hbm>> -> memref<32x1024xf32, #tpu.memory_space<hbm>>
    tpu.enqueue_dma source(%dma_start3A_107 : memref<32x1024xf32, #tpu.memory_space<hbm>>) target(%arg5 : memref<32x1024xf32, #tpu.memory_space<vmem>>) target_semaphore(%arg8 : memref<!tpu.dma_semaphore, #tpu.memory_space<semaphore_mem>>)
    %add3A_108 = arith.constant 64 : i32
    %add3A_109 = arith.addi %mul3A_2, %add3A_108 : i32
    %dma_wait3A_110 = arith.constant 0 : i32
    %dma_wait3A_111 = tpu.memref_slice %arg2[%add3A_109, %dma_wait3A_110] : memref<16384x1024xf32, #tpu.memory_space<hbm>> -> memref<32x1024xf32, #tpu.memory_space<hbm>>
    %dma_wait3A_112 = arith.constant 0 : i32
    %dma_wait3A_113 = tpu.memref_slice %arg2[%add3A_109, %dma_wait3A_112] : memref<16384x1024xf32, #tpu.memory_space<hbm>> -> memref<32x1024xf32, #tpu.memory_space<hbm>>
    tpu.wait_dma2 semaphore(%arg8 : memref<!tpu.dma_semaphore, #tpu.memory_space<semaphore_mem>>) src(%dma_wait3A_113 : memref<32x1024xf32, #tpu.memory_space<hbm>>) dst(%arg5 : memref<32x1024xf32, #tpu.memory_space<vmem>>)
    %broadcast_in_dim3A_114 = arith.constant 3 : i32
    %broadcast_in_dim3A_115 = vector.broadcast %broadcast_in_dim3A_114 : i32 to vector<16xi32>
    %broadcast_in_dim3A_116 = arith.constant 700 : i32
    %broadcast_in_dim3A_117 = vector.broadcast %broadcast_in_dim3A_116 : i32 to vector<16xi32>
    %iota3A_118 = tpu.iota {dimensions = array<i32: 0>} : vector<16xi32>
    %add3A_119 = arith.constant 0 : i32
    %add3A_120 = vector.broadcast %add3A_119 : i32 to vector<16xi32>
    %add3A_121 = arith.addi %iota3A_118, %add3A_120 : vector<16xi32>
    %gather3A_122 = tpu.vector_load_idx %arg5[%add3A_121, %broadcast_in_dim3A_115] : memref<32x1024xf32, #tpu.memory_space<vmem>>[vector<16xi32>, vector<16xi32>], vector<16xf32>,
    %gather3A_123 = tpu.vector_load_idx %arg5[%add3A_121, %broadcast_in_dim3A_117] : memref<32x1024xf32, #tpu.memory_space<vmem>>[vector<16xi32>, vector<16xi32>], vector<16xf32>,
    %mul3A_124 = arith.mulf %gather3A_122, %get3A_5 : vector<16xf32>
    %mul3A_125 = arith.mulf %gather3A_123, %get3A_9 : vector<16xf32>
    %add3A_126 = arith.addf %mul3A_124, %mul3A_125 : vector<16xf32>
    tpu.vector_store_idx %arg5[%add3A_121, %broadcast_in_dim3A_115], %add3A_126 : memref<32x1024xf32, #tpu.memory_space<vmem>>[vector<16xi32>, vector<16xi32>], vector<16xf32>,
    %mul3A_127 = arith.mulf %gather3A_122, %get3A_9 : vector<16xf32>
    %mul3A_128 = arith.mulf %gather3A_123, %get3A_5 : vector<16xf32>
    %sub3A_129 = arith.subf %mul3A_127, %mul3A_128 : vector<16xf32>
    tpu.vector_store_idx %arg5[%add3A_121, %broadcast_in_dim3A_117], %sub3A_129 : memref<32x1024xf32, #tpu.memory_space<vmem>>[vector<16xi32>, vector<16xi32>], vector<16xf32>,
    %iota3A_130 = tpu.iota {dimensions = array<i32: 0>} : vector<16xi32>
    %add3A_131 = arith.constant 16 : i32
    %add3A_132 = vector.broadcast %add3A_131 : i32 to vector<16xi32>
    %add3A_133 = arith.addi %iota3A_130, %add3A_132 : vector<16xi32>
    %gather3A_134 = tpu.vector_load_idx %arg5[%add3A_133, %broadcast_in_dim3A_115] : memref<32x1024xf32, #tpu.memory_space<vmem>>[vector<16xi32>, vector<16xi32>], vector<16xf32>,
    %gather3A_135 = tpu.vector_load_idx %arg5[%add3A_133, %broadcast_in_dim3A_117] : memref<32x1024xf32, #tpu.memory_space<vmem>>[vector<16xi32>, vector<16xi32>], vector<16xf32>,
    %mul3A_136 = arith.mulf %gather3A_134, %get3A_5 : vector<16xf32>
    %mul3A_137 = arith.mulf %gather3A_135, %get3A_9 : vector<16xf32>
    %add3A_138 = arith.addf %mul3A_136, %mul3A_137 : vector<16xf32>
    tpu.vector_store_idx %arg5[%add3A_133, %broadcast_in_dim3A_115], %add3A_138 : memref<32x1024xf32, #tpu.memory_space<vmem>>[vector<16xi32>, vector<16xi32>], vector<16xf32>,
    %mul3A_139 = arith.mulf %gather3A_134, %get3A_9 : vector<16xf32>
    %mul3A_140 = arith.mulf %gather3A_135, %get3A_5 : vector<16xf32>
    %sub3A_141 = arith.subf %mul3A_139, %mul3A_140 : vector<16xf32>
    tpu.vector_store_idx %arg5[%add3A_133, %broadcast_in_dim3A_117], %sub3A_141 : memref<32x1024xf32, #tpu.memory_space<vmem>>[vector<16xi32>, vector<16xi32>], vector<16xf32>,
    %add3A_142 = arith.constant 64 : i32
    %add3A_143 = arith.addi %mul3A_2, %add3A_142 : i32
    %dma_start3A_144 = arith.constant 0 : i32
    %dma_start3A_145 = tpu.memref_slice %arg4[%add3A_143, %dma_start3A_144] : memref<16384x1024xf32, #tpu.memory_space<hbm>> -> memref<32x1024xf32, #tpu.memory_space<hbm>>
    %dma_start3A_146 = arith.constant 0 : i32
    %dma_start3A_147 = tpu.memref_slice %arg4[%add3A_143, %dma_start3A_146] : memref<16384x1024xf32, #tpu.memory_space<hbm>> -> memref<32x1024xf32, #tpu.memory_space<hbm>>
    tpu.enqueue_dma source(%arg5 : memref<32x1024xf32, #tpu.memory_space<vmem>>) target(%dma_start3A_147 : memref<32x1024xf32, #tpu.memory_space<hbm>>) target_semaphore(%arg10 : memref<!tpu.dma_semaphore, #tpu.memory_space<semaphore_mem>>)
    %add3A_148 = arith.constant 32 : i32
    %add3A_149 = arith.addi %mul3A_2, %add3A_148 : i32
    %dma_wait3A_150 = arith.constant 0 : i32
    %dma_wait3A_151 = tpu.memref_slice %arg4[%add3A_149, %dma_wait3A_150] : memref<16384x1024xf32, #tpu.memory_space<hbm>> -> memref<32x1024xf32, #tpu.memory_space<hbm>>
    %dma_wait3A_152 = arith.constant 0 : i32
    %dma_wait3A_153 = tpu.memref_slice %arg4[%add3A_149, %dma_wait3A_152] : memref<16384x1024xf32, #tpu.memory_space<hbm>> -> memref<32x1024xf32, #tpu.memory_space<hbm>>
    tpu.wait_dma2 semaphore(%arg11 : memref<!tpu.dma_semaphore, #tpu.memory_space<semaphore_mem>>) src(%arg6 : memref<32x1024xf32, #tpu.memory_space<vmem>>) dst(%dma_wait3A_153 : memref<32x1024xf32, #tpu.memory_space<hbm>>)
    %add3A_154 = arith.constant 96 : i32
    %add3A_155 = arith.addi %mul3A_2, %add3A_154 : i32
    %dma_start3A_156 = arith.constant 0 : i32
    %dma_start3A_157 = tpu.memref_slice %arg2[%add3A_155, %dma_start3A_156] : memref<16384x1024xf32, #tpu.memory_space<hbm>> -> memref<32x1024xf32, #tpu.memory_space<hbm>>
    %dma_start3A_158 = arith.constant 0 : i32
    %dma_start3A_159 = tpu.memref_slice %arg2[%add3A_155, %dma_start3A_158] : memref<16384x1024xf32, #tpu.memory_space<hbm>> -> memref<32x1024xf32, #tpu.memory_space<hbm>>
    tpu.enqueue_dma source(%dma_start3A_159 : memref<32x1024xf32, #tpu.memory_space<hbm>>) target(%arg6 : memref<32x1024xf32, #tpu.memory_space<vmem>>) target_semaphore(%arg9 : memref<!tpu.dma_semaphore, #tpu.memory_space<semaphore_mem>>)
    %add3A_160 = arith.constant 96 : i32
    %add3A_161 = arith.addi %mul3A_2, %add3A_160 : i32
    %dma_wait3A_162 = arith.constant 0 : i32
    %dma_wait3A_163 = tpu.memref_slice %arg2[%add3A_161, %dma_wait3A_162] : memref<16384x1024xf32, #tpu.memory_space<hbm>> -> memref<32x1024xf32, #tpu.memory_space<hbm>>
    %dma_wait3A_164 = arith.constant 0 : i32
    %dma_wait3A_165 = tpu.memref_slice %arg2[%add3A_161, %dma_wait3A_164] : memref<16384x1024xf32, #tpu.memory_space<hbm>> -> memref<32x1024xf32, #tpu.memory_space<hbm>>
    tpu.wait_dma2 semaphore(%arg9 : memref<!tpu.dma_semaphore, #tpu.memory_space<semaphore_mem>>) src(%dma_wait3A_165 : memref<32x1024xf32, #tpu.memory_space<hbm>>) dst(%arg6 : memref<32x1024xf32, #tpu.memory_space<vmem>>)
    %broadcast_in_dim3A_166 = arith.constant 3 : i32
    %broadcast_in_dim3A_167 = vector.broadcast %broadcast_in_dim3A_166 : i32 to vector<16xi32>
    %broadcast_in_dim3A_168 = arith.constant 700 : i32
    %broadcast_in_dim3A_169 = vector.broadcast %broadcast_in_dim3A_168 : i32 to vector<16xi32>
    %iota3A_170 = tpu.iota {dimensions = array<i32: 0>} : vector<16xi32>
    %add3A_171 = arith.constant 0 : i32
    %add3A_172 = vector.broadcast %add3A_171 : i32 to vector<16xi32>
    %add3A_173 = arith.addi %iota3A_170, %add3A_172 : vector<16xi32>
    %gather3A_174 = tpu.vector_load_idx %arg6[%add3A_173, %broadcast_in_dim3A_167] : memref<32x1024xf32, #tpu.memory_space<vmem>>[vector<16xi32>, vector<16xi32>], vector<16xf32>,
    %gather3A_175 = tpu.vector_load_idx %arg6[%add3A_173, %broadcast_in_dim3A_169] : memref<32x1024xf32, #tpu.memory_space<vmem>>[vector<16xi32>, vector<16xi32>], vector<16xf32>,
    %mul3A_176 = arith.mulf %gather3A_174, %get3A_5 : vector<16xf32>
    %mul3A_177 = arith.mulf %gather3A_175, %get3A_9 : vector<16xf32>
    %add3A_178 = arith.addf %mul3A_176, %mul3A_177 : vector<16xf32>
    tpu.vector_store_idx %arg6[%add3A_173, %broadcast_in_dim3A_167], %add3A_178 : memref<32x1024xf32, #tpu.memory_space<vmem>>[vector<16xi32>, vector<16xi32>], vector<16xf32>,
    %mul3A_179 = arith.mulf %gather3A_174, %get3A_9 : vector<16xf32>
    %mul3A_180 = arith.mulf %gather3A_175, %get3A_5 : vector<16xf32>
    %sub3A_181 = arith.subf %mul3A_179, %mul3A_180 : vector<16xf32>
    tpu.vector_store_idx %arg6[%add3A_173, %broadcast_in_dim3A_169], %sub3A_181 : memref<32x1024xf32, #tpu.memory_space<vmem>>[vector<16xi32>, vector<16xi32>], vector<16xf32>,
    %iota3A_182 = tpu.iota {dimensions = array<i32: 0>} : vector<16xi32>
    %add3A_183 = arith.constant 16 : i32
    %add3A_184 = vector.broadcast %add3A_183 : i32 to vector<16xi32>
    %add3A_185 = arith.addi %iota3A_182, %add3A_184 : vector<16xi32>
    %gather3A_186 = tpu.vector_load_idx %arg6[%add3A_185, %broadcast_in_dim3A_167] : memref<32x1024xf32, #tpu.memory_space<vmem>>[vector<16xi32>, vector<16xi32>], vector<16xf32>,
    %gather3A_187 = tpu.vector_load_idx %arg6[%add3A_185, %broadcast_in_dim3A_169] : memref<32x1024xf32, #tpu.memory_space<vmem>>[vector<16xi32>, vector<16xi32>], vector<16xf32>,
    %mul3A_188 = arith.mulf %gather3A_186, %get3A_5 : vector<16xf32>
    %mul3A_189 = arith.mulf %gather3A_187, %get3A_9 : vector<16xf32>
    %add3A_190 = arith.addf %mul3A_188, %mul3A_189 : vector<16xf32>
    tpu.vector_store_idx %arg6[%add3A_185, %broadcast_in_dim3A_167], %add3A_190 : memref<32x1024xf32, #tpu.memory_space<vmem>>[vector<16xi32>, vector<16xi32>], vector<16xf32>,
    %mul3A_191 = arith.mulf %gather3A_186, %get3A_9 : vector<16xf32>
    %mul3A_192 = arith.mulf %gather3A_187, %get3A_5 : vector<16xf32>
    %sub3A_193 = arith.subf %mul3A_191, %mul3A_192 : vector<16xf32>
    tpu.vector_store_idx %arg6[%add3A_185, %broadcast_in_dim3A_169], %sub3A_193 : memref<32x1024xf32, #tpu.memory_space<vmem>>[vector<16xi32>, vector<16xi32>], vector<16xf32>,
    %add3A_194 = arith.constant 96 : i32
    %add3A_195 = arith.addi %mul3A_2, %add3A_194 : i32
    %dma_start3A_196 = arith.constant 0 : i32
    %dma_start3A_197 = tpu.memref_slice %arg4[%add3A_195, %dma_start3A_196] : memref<16384x1024xf32, #tpu.memory_space<hbm>> -> memref<32x1024xf32, #tpu.memory_space<hbm>>
    %dma_start3A_198 = arith.constant 0 : i32
    %dma_start3A_199 = tpu.memref_slice %arg4[%add3A_195, %dma_start3A_198] : memref<16384x1024xf32, #tpu.memory_space<hbm>> -> memref<32x1024xf32, #tpu.memory_space<hbm>>
    tpu.enqueue_dma source(%arg6 : memref<32x1024xf32, #tpu.memory_space<vmem>>) target(%dma_start3A_199 : memref<32x1024xf32, #tpu.memory_space<hbm>>) target_semaphore(%arg11 : memref<!tpu.dma_semaphore, #tpu.memory_space<semaphore_mem>>)
    %add3A_200 = arith.constant 64 : i32
    %add3A_201 = arith.addi %mul3A_2, %add3A_200 : i32
    %dma_wait3A_202 = arith.constant 0 : i32
    %dma_wait3A_203 = tpu.memref_slice %arg4[%add3A_201, %dma_wait3A_202] : memref<16384x1024xf32, #tpu.memory_space<hbm>> -> memref<32x1024xf32, #tpu.memory_space<hbm>>
    %dma_wait3A_204 = arith.constant 0 : i32
    %dma_wait3A_205 = tpu.memref_slice %arg4[%add3A_201, %dma_wait3A_204] : memref<16384x1024xf32, #tpu.memory_space<hbm>> -> memref<32x1024xf32, #tpu.memory_space<hbm>>
    tpu.wait_dma2 semaphore(%arg10 : memref<!tpu.dma_semaphore, #tpu.memory_space<semaphore_mem>>) src(%arg5 : memref<32x1024xf32, #tpu.memory_space<vmem>>) dst(%dma_wait3A_205 : memref<32x1024xf32, #tpu.memory_space<hbm>>)
    %add3A_206 = arith.constant 128 : i32
    %add3A_207 = arith.addi %mul3A_2, %add3A_206 : i32
    %dma_start3A_208 = arith.constant 0 : i32
    %dma_start3A_209 = tpu.memref_slice %arg2[%add3A_207, %dma_start3A_208] : memref<16384x1024xf32, #tpu.memory_space<hbm>> -> memref<32x1024xf32, #tpu.memory_space<hbm>>
    %dma_start3A_210 = arith.constant 0 : i32
    %dma_start3A_211 = tpu.memref_slice %arg2[%add3A_207, %dma_start3A_210] : memref<16384x1024xf32, #tpu.memory_space<hbm>> -> memref<32x1024xf32, #tpu.memory_space<hbm>>
    tpu.enqueue_dma source(%dma_start3A_211 : memref<32x1024xf32, #tpu.memory_space<hbm>>) target(%arg5 : memref<32x1024xf32, #tpu.memory_space<vmem>>) target_semaphore(%arg8 : memref<!tpu.dma_semaphore, #tpu.memory_space<semaphore_mem>>)
    %add3A_212 = arith.constant 128 : i32
    %add3A_213 = arith.addi %mul3A_2, %add3A_212 : i32
    %dma_wait3A_214 = arith.constant 0 : i32
    %dma_wait3A_215 = tpu.memref_slice %arg2[%add3A_213, %dma_wait3A_214] : memref<16384x1024xf32, #tpu.memory_space<hbm>> -> memref<32x1024xf32, #tpu.memory_space<hbm>>
    %dma_wait3A_216 = arith.constant 0 : i32
    %dma_wait3A_217 = tpu.memref_slice %arg2[%add3A_213, %dma_wait3A_216] : memref<16384x1024xf32, #tpu.memory_space<hbm>> -> memref<32x1024xf32, #tpu.memory_space<hbm>>
    tpu.wait_dma2 semaphore(%arg8 : memref<!tpu.dma_semaphore, #tpu.memory_space<semaphore_mem>>) src(%dma_wait3A_217 : memref<32x1024xf32, #tpu.memory_space<hbm>>) dst(%arg5 : memref<32x1024xf32, #tpu.memory_space<vmem>>)
    %broadcast_in_dim3A_218 = arith.constant 3 : i32
    %broadcast_in_dim3A_219 = vector.broadcast %broadcast_in_dim3A_218 : i32 to vector<16xi32>
    %broadcast_in_dim3A_220 = arith.constant 700 : i32
    %broadcast_in_dim3A_221 = vector.broadcast %broadcast_in_dim3A_220 : i32 to vector<16xi32>
    %iota3A_222 = tpu.iota {dimensions = array<i32: 0>} : vector<16xi32>
    %add3A_223 = arith.constant 0 : i32
    %add3A_224 = vector.broadcast %add3A_223 : i32 to vector<16xi32>
    %add3A_225 = arith.addi %iota3A_222, %add3A_224 : vector<16xi32>
    %gather3A_226 = tpu.vector_load_idx %arg5[%add3A_225, %broadcast_in_dim3A_219] : memref<32x1024xf32, #tpu.memory_space<vmem>>[vector<16xi32>, vector<16xi32>], vector<16xf32>,
    %gather3A_227 = tpu.vector_load_idx %arg5[%add3A_225, %broadcast_in_dim3A_221] : memref<32x1024xf32, #tpu.memory_space<vmem>>[vector<16xi32>, vector<16xi32>], vector<16xf32>,
    %mul3A_228 = arith.mulf %gather3A_226, %get3A_5 : vector<16xf32>
    %mul3A_229 = arith.mulf %gather3A_227, %get3A_9 : vector<16xf32>
    %add3A_230 = arith.addf %mul3A_228, %mul3A_229 : vector<16xf32>
    tpu.vector_store_idx %arg5[%add3A_225, %broadcast_in_dim3A_219], %add3A_230 : memref<32x1024xf32, #tpu.memory_space<vmem>>[vector<16xi32>, vector<16xi32>], vector<16xf32>,
    %mul3A_231 = arith.mulf %gather3A_226, %get3A_9 : vector<16xf32>
    %mul3A_232 = arith.mulf %gather3A_227, %get3A_5 : vector<16xf32>
    %sub3A_233 = arith.subf %mul3A_231, %mul3A_232 : vector<16xf32>
    tpu.vector_store_idx %arg5[%add3A_225, %broadcast_in_dim3A_221], %sub3A_233 : memref<32x1024xf32, #tpu.memory_space<vmem>>[vector<16xi32>, vector<16xi32>], vector<16xf32>,
    %iota3A_234 = tpu.iota {dimensions = array<i32: 0>} : vector<16xi32>
    %add3A_235 = arith.constant 16 : i32
    %add3A_236 = vector.broadcast %add3A_235 : i32 to vector<16xi32>
    %add3A_237 = arith.addi %iota3A_234, %add3A_236 : vector<16xi32>
    %gather3A_238 = tpu.vector_load_idx %arg5[%add3A_237, %broadcast_in_dim3A_219] : memref<32x1024xf32, #tpu.memory_space<vmem>>[vector<16xi32>, vector<16xi32>], vector<16xf32>,
    %gather3A_239 = tpu.vector_load_idx %arg5[%add3A_237, %broadcast_in_dim3A_221] : memref<32x1024xf32, #tpu.memory_space<vmem>>[vector<16xi32>, vector<16xi32>], vector<16xf32>,
    %mul3A_240 = arith.mulf %gather3A_238, %get3A_5 : vector<16xf32>
    %mul3A_241 = arith.mulf %gather3A_239, %get3A_9 : vector<16xf32>
    %add3A_242 = arith.addf %mul3A_240, %mul3A_241 : vector<16xf32>
    tpu.vector_store_idx %arg5[%add3A_237, %broadcast_in_dim3A_219], %add3A_242 : memref<32x1024xf32, #tpu.memory_space<vmem>>[vector<16xi32>, vector<16xi32>], vector<16xf32>,
    %mul3A_243 = arith.mulf %gather3A_238, %get3A_9 : vector<16xf32>
    %mul3A_244 = arith.mulf %gather3A_239, %get3A_5 : vector<16xf32>
    %sub3A_245 = arith.subf %mul3A_243, %mul3A_244 : vector<16xf32>
    tpu.vector_store_idx %arg5[%add3A_237, %broadcast_in_dim3A_221], %sub3A_245 : memref<32x1024xf32, #tpu.memory_space<vmem>>[vector<16xi32>, vector<16xi32>], vector<16xf32>,
    %add3A_246 = arith.constant 128 : i32
    %add3A_247 = arith.addi %mul3A_2, %add3A_246 : i32
    %dma_start3A_248 = arith.constant 0 : i32
    %dma_start3A_249 = tpu.memref_slice %arg4[%add3A_247, %dma_start3A_248] : memref<16384x1024xf32, #tpu.memory_space<hbm>> -> memref<32x1024xf32, #tpu.memory_space<hbm>>
    %dma_start3A_250 = arith.constant 0 : i32
    %dma_start3A_251 = tpu.memref_slice %arg4[%add3A_247, %dma_start3A_250] : memref<16384x1024xf32, #tpu.memory_space<hbm>> -> memref<32x1024xf32, #tpu.memory_space<hbm>>
    tpu.enqueue_dma source(%arg5 : memref<32x1024xf32, #tpu.memory_space<vmem>>) target(%dma_start3A_251 : memref<32x1024xf32, #tpu.memory_space<hbm>>) target_semaphore(%arg10 : memref<!tpu.dma_semaphore, #tpu.memory_space<semaphore_mem>>)
    %add3A_252 = arith.constant 96 : i32
    %add3A_253 = arith.addi %mul3A_2, %add3A_252 : i32
    %dma_wait3A_254 = arith.constant 0 : i32
    %dma_wait3A_255 = tpu.memref_slice %arg4[%add3A_253, %dma_wait3A_254] : memref<16384x1024xf32, #tpu.memory_space<hbm>> -> memref<32x1024xf32, #tpu.memory_space<hbm>>
    %dma_wait3A_256 = arith.constant 0 : i32
    %dma_wait3A_257 = tpu.memref_slice %arg4[%add3A_253, %dma_wait3A_256] : memref<16384x1024xf32, #tpu.memory_space<hbm>> -> memref<32x1024xf32, #tpu.memory_space<hbm>>
    tpu.wait_dma2 semaphore(%arg11 : memref<!tpu.dma_semaphore, #tpu.memory_space<semaphore_mem>>) src(%arg6 : memref<32x1024xf32, #tpu.memory_space<vmem>>) dst(%dma_wait3A_257 : memref<32x1024xf32, #tpu.memory_space<hbm>>)
    %add3A_258 = arith.constant 160 : i32
    %add3A_259 = arith.addi %mul3A_2, %add3A_258 : i32
    %dma_start3A_260 = arith.constant 0 : i32
    %dma_start3A_261 = tpu.memref_slice %arg2[%add3A_259, %dma_start3A_260] : memref<16384x1024xf32, #tpu.memory_space<hbm>> -> memref<32x1024xf32, #tpu.memory_space<hbm>>
    %dma_start3A_262 = arith.constant 0 : i32
    %dma_start3A_263 = tpu.memref_slice %arg2[%add3A_259, %dma_start3A_262] : memref<16384x1024xf32, #tpu.memory_space<hbm>> -> memref<32x1024xf32, #tpu.memory_space<hbm>>
    tpu.enqueue_dma source(%dma_start3A_263 : memref<32x1024xf32, #tpu.memory_space<hbm>>) target(%arg6 : memref<32x1024xf32, #tpu.memory_space<vmem>>) target_semaphore(%arg9 : memref<!tpu.dma_semaphore, #tpu.memory_space<semaphore_mem>>)
    %add3A_264 = arith.constant 160 : i32
    %add3A_265 = arith.addi %mul3A_2, %add3A_264 : i32
    %dma_wait3A_266 = arith.constant 0 : i32
    %dma_wait3A_267 = tpu.memref_slice %arg2[%add3A_265, %dma_wait3A_266] : memref<16384x1024xf32, #tpu.memory_space<hbm>> -> memref<32x1024xf32, #tpu.memory_space<hbm>>
    %dma_wait3A_268 = arith.constant 0 : i32
    %dma_wait3A_269 = tpu.memref_slice %arg2[%add3A_265, %dma_wait3A_268] : memref<16384x1024xf32, #tpu.memory_space<hbm>> -> memref<32x1024xf32, #tpu.memory_space<hbm>>
    tpu.wait_dma2 semaphore(%arg9 : memref<!tpu.dma_semaphore, #tpu.memory_space<semaphore_mem>>) src(%dma_wait3A_269 : memref<32x1024xf32, #tpu.memory_space<hbm>>) dst(%arg6 : memref<32x1024xf32, #tpu.memory_space<vmem>>)
    %broadcast_in_dim3A_270 = arith.constant 3 : i32
    %broadcast_in_dim3A_271 = vector.broadcast %broadcast_in_dim3A_270 : i32 to vector<16xi32>
    %broadcast_in_dim3A_272 = arith.constant 700 : i32
    %broadcast_in_dim3A_273 = vector.broadcast %broadcast_in_dim3A_272 : i32 to vector<16xi32>
    %iota3A_274 = tpu.iota {dimensions = array<i32: 0>} : vector<16xi32>
    %add3A_275 = arith.constant 0 : i32
    %add3A_276 = vector.broadcast %add3A_275 : i32 to vector<16xi32>
    %add3A_277 = arith.addi %iota3A_274, %add3A_276 : vector<16xi32>
    %gather3A_278 = tpu.vector_load_idx %arg6[%add3A_277, %broadcast_in_dim3A_271] : memref<32x1024xf32, #tpu.memory_space<vmem>>[vector<16xi32>, vector<16xi32>], vector<16xf32>,
    %gather3A_279 = tpu.vector_load_idx %arg6[%add3A_277, %broadcast_in_dim3A_273] : memref<32x1024xf32, #tpu.memory_space<vmem>>[vector<16xi32>, vector<16xi32>], vector<16xf32>,
    %mul3A_280 = arith.mulf %gather3A_278, %get3A_5 : vector<16xf32>
    %mul3A_281 = arith.mulf %gather3A_279, %get3A_9 : vector<16xf32>
    %add3A_282 = arith.addf %mul3A_280, %mul3A_281 : vector<16xf32>
    tpu.vector_store_idx %arg6[%add3A_277, %broadcast_in_dim3A_271], %add3A_282 : memref<32x1024xf32, #tpu.memory_space<vmem>>[vector<16xi32>, vector<16xi32>], vector<16xf32>,
    %mul3A_283 = arith.mulf %gather3A_278, %get3A_9 : vector<16xf32>
    %mul3A_284 = arith.mulf %gather3A_279, %get3A_5 : vector<16xf32>
    %sub3A_285 = arith.subf %mul3A_283, %mul3A_284 : vector<16xf32>
    tpu.vector_store_idx %arg6[%add3A_277, %broadcast_in_dim3A_273], %sub3A_285 : memref<32x1024xf32, #tpu.memory_space<vmem>>[vector<16xi32>, vector<16xi32>], vector<16xf32>,
    %iota3A_286 = tpu.iota {dimensions = array<i32: 0>} : vector<16xi32>
    %add3A_287 = arith.constant 16 : i32
    %add3A_288 = vector.broadcast %add3A_287 : i32 to vector<16xi32>
    %add3A_289 = arith.addi %iota3A_286, %add3A_288 : vector<16xi32>
    %gather3A_290 = tpu.vector_load_idx %arg6[%add3A_289, %broadcast_in_dim3A_271] : memref<32x1024xf32, #tpu.memory_space<vmem>>[vector<16xi32>, vector<16xi32>], vector<16xf32>,
    %gather3A_291 = tpu.vector_load_idx %arg6[%add3A_289, %broadcast_in_dim3A_273] : memref<32x1024xf32, #tpu.memory_space<vmem>>[vector<16xi32>, vector<16xi32>], vector<16xf32>,
    %mul3A_292 = arith.mulf %gather3A_290, %get3A_5 : vector<16xf32>
    %mul3A_293 = arith.mulf %gather3A_291, %get3A_9 : vector<16xf32>
    %add3A_294 = arith.addf %mul3A_292, %mul3A_293 : vector<16xf32>
    tpu.vector_store_idx %arg6[%add3A_289, %broadcast_in_dim3A_271], %add3A_294 : memref<32x1024xf32, #tpu.memory_space<vmem>>[vector<16xi32>, vector<16xi32>], vector<16xf32>,
    %mul3A_295 = arith.mulf %gather3A_290, %get3A_9 : vector<16xf32>
    %mul3A_296 = arith.mulf %gather3A_291, %get3A_5 : vector<16xf32>
    %sub3A_297 = arith.subf %mul3A_295, %mul3A_296 : vector<16xf32>
    tpu.vector_store_idx %arg6[%add3A_289, %broadcast_in_dim3A_273], %sub3A_297 : memref<32x1024xf32, #tpu.memory_space<vmem>>[vector<16xi32>, vector<16xi32>], vector<16xf32>,
    %add3A_298 = arith.constant 160 : i32
    %add3A_299 = arith.addi %mul3A_2, %add3A_298 : i32
    %dma_start3A_300 = arith.constant 0 : i32
    %dma_start3A_301 = tpu.memref_slice %arg4[%add3A_299, %dma_start3A_300] : memref<16384x1024xf32, #tpu.memory_space<hbm>> -> memref<32x1024xf32, #tpu.memory_space<hbm>>
    %dma_start3A_302 = arith.constant 0 : i32
    %dma_start3A_303 = tpu.memref_slice %arg4[%add3A_299, %dma_start3A_302] : memref<16384x1024xf32, #tpu.memory_space<hbm>> -> memref<32x1024xf32, #tpu.memory_space<hbm>>
    tpu.enqueue_dma source(%arg6 : memref<32x1024xf32, #tpu.memory_space<vmem>>) target(%dma_start3A_303 : memref<32x1024xf32, #tpu.memory_space<hbm>>) target_semaphore(%arg11 : memref<!tpu.dma_semaphore, #tpu.memory_space<semaphore_mem>>)
    %add3A_304 = arith.constant 128 : i32
    %add3A_305 = arith.addi %mul3A_2, %add3A_304 : i32
    %dma_wait3A_306 = arith.constant 0 : i32
    %dma_wait3A_307 = tpu.memref_slice %arg4[%add3A_305, %dma_wait3A_306] : memref<16384x1024xf32, #tpu.memory_space<hbm>> -> memref<32x1024xf32, #tpu.memory_space<hbm>>
    %dma_wait3A_308 = arith.constant 0 : i32
    %dma_wait3A_309 = tpu.memref_slice %arg4[%add3A_305, %dma_wait3A_308] : memref<16384x1024xf32, #tpu.memory_space<hbm>> -> memref<32x1024xf32, #tpu.memory_space<hbm>>
    tpu.wait_dma2 semaphore(%arg10 : memref<!tpu.dma_semaphore, #tpu.memory_space<semaphore_mem>>) src(%arg5 : memref<32x1024xf32, #tpu.memory_space<vmem>>) dst(%dma_wait3A_309 : memref<32x1024xf32, #tpu.memory_space<hbm>>)
    %add3A_310 = arith.constant 192 : i32
    %add3A_311 = arith.addi %mul3A_2, %add3A_310 : i32
    %dma_start3A_312 = arith.constant 0 : i32
    %dma_start3A_313 = tpu.memref_slice %arg2[%add3A_311, %dma_start3A_312] : memref<16384x1024xf32, #tpu.memory_space<hbm>> -> memref<32x1024xf32, #tpu.memory_space<hbm>>
    %dma_start3A_314 = arith.constant 0 : i32
    %dma_start3A_315 = tpu.memref_slice %arg2[%add3A_311, %dma_start3A_314] : memref<16384x1024xf32, #tpu.memory_space<hbm>> -> memref<32x1024xf32, #tpu.memory_space<hbm>>
    tpu.enqueue_dma source(%dma_start3A_315 : memref<32x1024xf32, #tpu.memory_space<hbm>>) target(%arg5 : memref<32x1024xf32, #tpu.memory_space<vmem>>) target_semaphore(%arg8 : memref<!tpu.dma_semaphore, #tpu.memory_space<semaphore_mem>>)
    %add3A_316 = arith.constant 192 : i32
    %add3A_317 = arith.addi %mul3A_2, %add3A_316 : i32
    %dma_wait3A_318 = arith.constant 0 : i32
    %dma_wait3A_319 = tpu.memref_slice %arg2[%add3A_317, %dma_wait3A_318] : memref<16384x1024xf32, #tpu.memory_space<hbm>> -> memref<32x1024xf32, #tpu.memory_space<hbm>>
    %dma_wait3A_320 = arith.constant 0 : i32
    %dma_wait3A_321 = tpu.memref_slice %arg2[%add3A_317, %dma_wait3A_320] : memref<16384x1024xf32, #tpu.memory_space<hbm>> -> memref<32x1024xf32, #tpu.memory_space<hbm>>
    tpu.wait_dma2 semaphore(%arg8 : memref<!tpu.dma_semaphore, #tpu.memory_space<semaphore_mem>>) src(%dma_wait3A_321 : memref<32x1024xf32, #tpu.memory_space<hbm>>) dst(%arg5 : memref<32x1024xf32, #tpu.memory_space<vmem>>)
    %broadcast_in_dim3A_322 = arith.constant 3 : i32
    %broadcast_in_dim3A_323 = vector.broadcast %broadcast_in_dim3A_322 : i32 to vector<16xi32>
    %broadcast_in_dim3A_324 = arith.constant 700 : i32
    %broadcast_in_dim3A_325 = vector.broadcast %broadcast_in_dim3A_324 : i32 to vector<16xi32>
    %iota3A_326 = tpu.iota {dimensions = array<i32: 0>} : vector<16xi32>
    %add3A_327 = arith.constant 0 : i32
    %add3A_328 = vector.broadcast %add3A_327 : i32 to vector<16xi32>
    %add3A_329 = arith.addi %iota3A_326, %add3A_328 : vector<16xi32>
    %gather3A_330 = tpu.vector_load_idx %arg5[%add3A_329, %broadcast_in_dim3A_323] : memref<32x1024xf32, #tpu.memory_space<vmem>>[vector<16xi32>, vector<16xi32>], vector<16xf32>,
    %gather3A_331 = tpu.vector_load_idx %arg5[%add3A_329, %broadcast_in_dim3A_325] : memref<32x1024xf32, #tpu.memory_space<vmem>>[vector<16xi32>, vector<16xi32>], vector<16xf32>,
    %mul3A_332 = arith.mulf %gather3A_330, %get3A_5 : vector<16xf32>
    %mul3A_333 = arith.mulf %gather3A_331, %get3A_9 : vector<16xf32>
    %add3A_334 = arith.addf %mul3A_332, %mul3A_333 : vector<16xf32>
    tpu.vector_store_idx %arg5[%add3A_329, %broadcast_in_dim3A_323], %add3A_334 : memref<32x1024xf32, #tpu.memory_space<vmem>>[vector<16xi32>, vector<16xi32>], vector<16xf32>,
    %mul3A_335 = arith.mulf %gather3A_330, %get3A_9 : vector<16xf32>
    %mul3A_336 = arith.mulf %gather3A_331, %get3A_5 : vector<16xf32>
    %sub3A_337 = arith.subf %mul3A_335, %mul3A_336 : vector<16xf32>
    tpu.vector_store_idx %arg5[%add3A_329, %broadcast_in_dim3A_325], %sub3A_337 : memref<32x1024xf32, #tpu.memory_space<vmem>>[vector<16xi32>, vector<16xi32>], vector<16xf32>,
    %iota3A_338 = tpu.iota {dimensions = array<i32: 0>} : vector<16xi32>
    %add3A_339 = arith.constant 16 : i32
    %add3A_340 = vector.broadcast %add3A_339 : i32 to vector<16xi32>
    %add3A_341 = arith.addi %iota3A_338, %add3A_340 : vector<16xi32>
    %gather3A_342 = tpu.vector_load_idx %arg5[%add3A_341, %broadcast_in_dim3A_323] : memref<32x1024xf32, #tpu.memory_space<vmem>>[vector<16xi32>, vector<16xi32>], vector<16xf32>,
    %gather3A_343 = tpu.vector_load_idx %arg5[%add3A_341, %broadcast_in_dim3A_325] : memref<32x1024xf32, #tpu.memory_space<vmem>>[vector<16xi32>, vector<16xi32>], vector<16xf32>,
    %mul3A_344 = arith.mulf %gather3A_342, %get3A_5 : vector<16xf32>
    %mul3A_345 = arith.mulf %gather3A_343, %get3A_9 : vector<16xf32>
    %add3A_346 = arith.addf %mul3A_344, %mul3A_345 : vector<16xf32>
    tpu.vector_store_idx %arg5[%add3A_341, %broadcast_in_dim3A_323], %add3A_346 : memref<32x1024xf32, #tpu.memory_space<vmem>>[vector<16xi32>, vector<16xi32>], vector<16xf32>,
    %mul3A_347 = arith.mulf %gather3A_342, %get3A_9 : vector<16xf32>
    %mul3A_348 = arith.mulf %gather3A_343, %get3A_5 : vector<16xf32>
    %sub3A_349 = arith.subf %mul3A_347, %mul3A_348 : vector<16xf32>
    tpu.vector_store_idx %arg5[%add3A_341, %broadcast_in_dim3A_325], %sub3A_349 : memref<32x1024xf32, #tpu.memory_space<vmem>>[vector<16xi32>, vector<16xi32>], vector<16xf32>,
    %add3A_350 = arith.constant 192 : i32
    %add3A_351 = arith.addi %mul3A_2, %add3A_350 : i32
    %dma_start3A_352 = arith.constant 0 : i32
    %dma_start3A_353 = tpu.memref_slice %arg4[%add3A_351, %dma_start3A_352] : memref<16384x1024xf32, #tpu.memory_space<hbm>> -> memref<32x1024xf32, #tpu.memory_space<hbm>>
    %dma_start3A_354 = arith.constant 0 : i32
    %dma_start3A_355 = tpu.memref_slice %arg4[%add3A_351, %dma_start3A_354] : memref<16384x1024xf32, #tpu.memory_space<hbm>> -> memref<32x1024xf32, #tpu.memory_space<hbm>>
    tpu.enqueue_dma source(%arg5 : memref<32x1024xf32, #tpu.memory_space<vmem>>) target(%dma_start3A_355 : memref<32x1024xf32, #tpu.memory_space<hbm>>) target_semaphore(%arg10 : memref<!tpu.dma_semaphore, #tpu.memory_space<semaphore_mem>>)
    %add3A_356 = arith.constant 160 : i32
    %add3A_357 = arith.addi %mul3A_2, %add3A_356 : i32
    %dma_wait3A_358 = arith.constant 0 : i32
    %dma_wait3A_359 = tpu.memref_slice %arg4[%add3A_357, %dma_wait3A_358] : memref<16384x1024xf32, #tpu.memory_space<hbm>> -> memref<32x1024xf32, #tpu.memory_space<hbm>>
    %dma_wait3A_360 = arith.constant 0 : i32
    %dma_wait3A_361 = tpu.memref_slice %arg4[%add3A_357, %dma_wait3A_360] : memref<16384x1024xf32, #tpu.memory_space<hbm>> -> memref<32x1024xf32, #tpu.memory_space<hbm>>
    tpu.wait_dma2 semaphore(%arg11 : memref<!tpu.dma_semaphore, #tpu.memory_space<semaphore_mem>>) src(%arg6 : memref<32x1024xf32, #tpu.memory_space<vmem>>) dst(%dma_wait3A_361 : memref<32x1024xf32, #tpu.memory_space<hbm>>)
    %add3A_362 = arith.constant 224 : i32
    %add3A_363 = arith.addi %mul3A_2, %add3A_362 : i32
    %dma_start3A_364 = arith.constant 0 : i32
    %dma_start3A_365 = tpu.memref_slice %arg2[%add3A_363, %dma_start3A_364] : memref<16384x1024xf32, #tpu.memory_space<hbm>> -> memref<32x1024xf32, #tpu.memory_space<hbm>>
    %dma_start3A_366 = arith.constant 0 : i32
    %dma_start3A_367 = tpu.memref_slice %arg2[%add3A_363, %dma_start3A_366] : memref<16384x1024xf32, #tpu.memory_space<hbm>> -> memref<32x1024xf32, #tpu.memory_space<hbm>>
    tpu.enqueue_dma source(%dma_start3A_367 : memref<32x1024xf32, #tpu.memory_space<hbm>>) target(%arg6 : memref<32x1024xf32, #tpu.memory_space<vmem>>) target_semaphore(%arg9 : memref<!tpu.dma_semaphore, #tpu.memory_space<semaphore_mem>>)
    %add3A_368 = arith.constant 224 : i32
    %add3A_369 = arith.addi %mul3A_2, %add3A_368 : i32
    %dma_wait3A_370 = arith.constant 0 : i32
    %dma_wait3A_371 = tpu.memref_slice %arg2[%add3A_369, %dma_wait3A_370] : memref<16384x1024xf32, #tpu.memory_space<hbm>> -> memref<32x1024xf32, #tpu.memory_space<hbm>>
    %dma_wait3A_372 = arith.constant 0 : i32
    %dma_wait3A_373 = tpu.memref_slice %arg2[%add3A_369, %dma_wait3A_372] : memref<16384x1024xf32, #tpu.memory_space<hbm>> -> memref<32x1024xf32, #tpu.memory_space<hbm>>
    tpu.wait_dma2 semaphore(%arg9 : memref<!tpu.dma_semaphore, #tpu.memory_space<semaphore_mem>>) src(%dma_wait3A_373 : memref<32x1024xf32, #tpu.memory_space<hbm>>) dst(%arg6 : memref<32x1024xf32, #tpu.memory_space<vmem>>)
    %broadcast_in_dim3A_374 = arith.constant 3 : i32
    %broadcast_in_dim3A_375 = vector.broadcast %broadcast_in_dim3A_374 : i32 to vector<16xi32>
    %broadcast_in_dim3A_376 = arith.constant 700 : i32
    %broadcast_in_dim3A_377 = vector.broadcast %broadcast_in_dim3A_376 : i32 to vector<16xi32>
    %iota3A_378 = tpu.iota {dimensions = array<i32: 0>} : vector<16xi32>
    %add3A_379 = arith.constant 0 : i32
    %add3A_380 = vector.broadcast %add3A_379 : i32 to vector<16xi32>
    %add3A_381 = arith.addi %iota3A_378, %add3A_380 : vector<16xi32>
    %gather3A_382 = tpu.vector_load_idx %arg6[%add3A_381, %broadcast_in_dim3A_375] : memref<32x1024xf32, #tpu.memory_space<vmem>>[vector<16xi32>, vector<16xi32>], vector<16xf32>,
    %gather3A_383 = tpu.vector_load_idx %arg6[%add3A_381, %broadcast_in_dim3A_377] : memref<32x1024xf32, #tpu.memory_space<vmem>>[vector<16xi32>, vector<16xi32>], vector<16xf32>,
    %mul3A_384 = arith.mulf %gather3A_382, %get3A_5 : vector<16xf32>
    %mul3A_385 = arith.mulf %gather3A_383, %get3A_9 : vector<16xf32>
    %add3A_386 = arith.addf %mul3A_384, %mul3A_385 : vector<16xf32>
    tpu.vector_store_idx %arg6[%add3A_381, %broadcast_in_dim3A_375], %add3A_386 : memref<32x1024xf32, #tpu.memory_space<vmem>>[vector<16xi32>, vector<16xi32>], vector<16xf32>,
    %mul3A_387 = arith.mulf %gather3A_382, %get3A_9 : vector<16xf32>
    %mul3A_388 = arith.mulf %gather3A_383, %get3A_5 : vector<16xf32>
    %sub3A_389 = arith.subf %mul3A_387, %mul3A_388 : vector<16xf32>
    tpu.vector_store_idx %arg6[%add3A_381, %broadcast_in_dim3A_377], %sub3A_389 : memref<32x1024xf32, #tpu.memory_space<vmem>>[vector<16xi32>, vector<16xi32>], vector<16xf32>,
    %iota3A_390 = tpu.iota {dimensions = array<i32: 0>} : vector<16xi32>
    %add3A_391 = arith.constant 16 : i32
    %add3A_392 = vector.broadcast %add3A_391 : i32 to vector<16xi32>
    %add3A_393 = arith.addi %iota3A_390, %add3A_392 : vector<16xi32>
    %gather3A_394 = tpu.vector_load_idx %arg6[%add3A_393, %broadcast_in_dim3A_375] : memref<32x1024xf32, #tpu.memory_space<vmem>>[vector<16xi32>, vector<16xi32>], vector<16xf32>,
    %gather3A_395 = tpu.vector_load_idx %arg6[%add3A_393, %broadcast_in_dim3A_377] : memref<32x1024xf32, #tpu.memory_space<vmem>>[vector<16xi32>, vector<16xi32>], vector<16xf32>,
    %mul3A_396 = arith.mulf %gather3A_394, %get3A_5 : vector<16xf32>
    %mul3A_397 = arith.mulf %gather3A_395, %get3A_9 : vector<16xf32>
    %add3A_398 = arith.addf %mul3A_396, %mul3A_397 : vector<16xf32>
    tpu.vector_store_idx %arg6[%add3A_393, %broadcast_in_dim3A_375], %add3A_398 : memref<32x1024xf32, #tpu.memory_space<vmem>>[vector<16xi32>, vector<16xi32>], vector<16xf32>,
    %mul3A_399 = arith.mulf %gather3A_394, %get3A_9 : vector<16xf32>
    %mul3A_400 = arith.mulf %gather3A_395, %get3A_5 : vector<16xf32>
    %sub3A_401 = arith.subf %mul3A_399, %mul3A_400 : vector<16xf32>
    tpu.vector_store_idx %arg6[%add3A_393, %broadcast_in_dim3A_377], %sub3A_401 : memref<32x1024xf32, #tpu.memory_space<vmem>>[vector<16xi32>, vector<16xi32>], vector<16xf32>,
    %add3A_402 = arith.constant 224 : i32
    %add3A_403 = arith.addi %mul3A_2, %add3A_402 : i32
    %dma_start3A_404 = arith.constant 0 : i32
    %dma_start3A_405 = tpu.memref_slice %arg4[%add3A_403, %dma_start3A_404] : memref<16384x1024xf32, #tpu.memory_space<hbm>> -> memref<32x1024xf32, #tpu.memory_space<hbm>>
    %dma_start3A_406 = arith.constant 0 : i32
    %dma_start3A_407 = tpu.memref_slice %arg4[%add3A_403, %dma_start3A_406] : memref<16384x1024xf32, #tpu.memory_space<hbm>> -> memref<32x1024xf32, #tpu.memory_space<hbm>>
    tpu.enqueue_dma source(%arg6 : memref<32x1024xf32, #tpu.memory_space<vmem>>) target(%dma_start3A_407 : memref<32x1024xf32, #tpu.memory_space<hbm>>) target_semaphore(%arg11 : memref<!tpu.dma_semaphore, #tpu.memory_space<semaphore_mem>>)
    %add3A_408 = arith.constant 192 : i32
    %add3A_409 = arith.addi %mul3A_2, %add3A_408 : i32
    %dma_wait3A_410 = arith.constant 0 : i32
    %dma_wait3A_411 = tpu.memref_slice %arg4[%add3A_409, %dma_wait3A_410] : memref<16384x1024xf32, #tpu.memory_space<hbm>> -> memref<32x1024xf32, #tpu.memory_space<hbm>>
    %dma_wait3A_412 = arith.constant 0 : i32
    %dma_wait3A_413 = tpu.memref_slice %arg4[%add3A_409, %dma_wait3A_412] : memref<16384x1024xf32, #tpu.memory_space<hbm>> -> memref<32x1024xf32, #tpu.memory_space<hbm>>
    tpu.wait_dma2 semaphore(%arg10 : memref<!tpu.dma_semaphore, #tpu.memory_space<semaphore_mem>>) src(%arg5 : memref<32x1024xf32, #tpu.memory_space<vmem>>) dst(%dma_wait3A_413 : memref<32x1024xf32, #tpu.memory_space<hbm>>)
    %add3A_414 = arith.constant 256 : i32
    %add3A_415 = arith.addi %mul3A_2, %add3A_414 : i32
    %dma_start3A_416 = arith.constant 0 : i32
    %dma_start3A_417 = tpu.memref_slice %arg2[%add3A_415, %dma_start3A_416] : memref<16384x1024xf32, #tpu.memory_space<hbm>> -> memref<32x1024xf32, #tpu.memory_space<hbm>>
    %dma_start3A_418 = arith.constant 0 : i32
    %dma_start3A_419 = tpu.memref_slice %arg2[%add3A_415, %dma_start3A_418] : memref<16384x1024xf32, #tpu.memory_space<hbm>> -> memref<32x1024xf32, #tpu.memory_space<hbm>>
    tpu.enqueue_dma source(%dma_start3A_419 : memref<32x1024xf32, #tpu.memory_space<hbm>>) target(%arg5 : memref<32x1024xf32, #tpu.memory_space<vmem>>) target_semaphore(%arg8 : memref<!tpu.dma_semaphore, #tpu.memory_space<semaphore_mem>>)
    %add3A_420 = arith.constant 256 : i32
    %add3A_421 = arith.addi %mul3A_2, %add3A_420 : i32
    %dma_wait3A_422 = arith.constant 0 : i32
    %dma_wait3A_423 = tpu.memref_slice %arg2[%add3A_421, %dma_wait3A_422] : memref<16384x1024xf32, #tpu.memory_space<hbm>> -> memref<32x1024xf32, #tpu.memory_space<hbm>>
    %dma_wait3A_424 = arith.constant 0 : i32
    %dma_wait3A_425 = tpu.memref_slice %arg2[%add3A_421, %dma_wait3A_424] : memref<16384x1024xf32, #tpu.memory_space<hbm>> -> memref<32x1024xf32, #tpu.memory_space<hbm>>
    tpu.wait_dma2 semaphore(%arg8 : memref<!tpu.dma_semaphore, #tpu.memory_space<semaphore_mem>>) src(%dma_wait3A_425 : memref<32x1024xf32, #tpu.memory_space<hbm>>) dst(%arg5 : memref<32x1024xf32, #tpu.memory_space<vmem>>)
    %broadcast_in_dim3A_426 = arith.constant 3 : i32
    %broadcast_in_dim3A_427 = vector.broadcast %broadcast_in_dim3A_426 : i32 to vector<16xi32>
    %broadcast_in_dim3A_428 = arith.constant 700 : i32
    %broadcast_in_dim3A_429 = vector.broadcast %broadcast_in_dim3A_428 : i32 to vector<16xi32>
    %iota3A_430 = tpu.iota {dimensions = array<i32: 0>} : vector<16xi32>
    %add3A_431 = arith.constant 0 : i32
    %add3A_432 = vector.broadcast %add3A_431 : i32 to vector<16xi32>
    %add3A_433 = arith.addi %iota3A_430, %add3A_432 : vector<16xi32>
    %gather3A_434 = tpu.vector_load_idx %arg5[%add3A_433, %broadcast_in_dim3A_427] : memref<32x1024xf32, #tpu.memory_space<vmem>>[vector<16xi32>, vector<16xi32>], vector<16xf32>,
    %gather3A_435 = tpu.vector_load_idx %arg5[%add3A_433, %broadcast_in_dim3A_429] : memref<32x1024xf32, #tpu.memory_space<vmem>>[vector<16xi32>, vector<16xi32>], vector<16xf32>,
    %mul3A_436 = arith.mulf %gather3A_434, %get3A_5 : vector<16xf32>
    %mul3A_437 = arith.mulf %gather3A_435, %get3A_9 : vector<16xf32>
    %add3A_438 = arith.addf %mul3A_436, %mul3A_437 : vector<16xf32>
    tpu.vector_store_idx %arg5[%add3A_433, %broadcast_in_dim3A_427], %add3A_438 : memref<32x1024xf32, #tpu.memory_space<vmem>>[vector<16xi32>, vector<16xi32>], vector<16xf32>,
    %mul3A_439 = arith.mulf %gather3A_434, %get3A_9 : vector<16xf32>
    %mul3A_440 = arith.mulf %gather3A_435, %get3A_5 : vector<16xf32>
    %sub3A_441 = arith.subf %mul3A_439, %mul3A_440 : vector<16xf32>
    tpu.vector_store_idx %arg5[%add3A_433, %broadcast_in_dim3A_429], %sub3A_441 : memref<32x1024xf32, #tpu.memory_space<vmem>>[vector<16xi32>, vector<16xi32>], vector<16xf32>,
    %iota3A_442 = tpu.iota {dimensions = array<i32: 0>} : vector<16xi32>
    %add3A_443 = arith.constant 16 : i32
    %add3A_444 = vector.broadcast %add3A_443 : i32 to vector<16xi32>
    %add3A_445 = arith.addi %iota3A_442, %add3A_444 : vector<16xi32>
    %gather3A_446 = tpu.vector_load_idx %arg5[%add3A_445, %broadcast_in_dim3A_427] : memref<32x1024xf32, #tpu.memory_space<vmem>>[vector<16xi32>, vector<16xi32>], vector<16xf32>,
    %gather3A_447 = tpu.vector_load_idx %arg5[%add3A_445, %broadcast_in_dim3A_429] : memref<32x1024xf32, #tpu.memory_space<vmem>>[vector<16xi32>, vector<16xi32>], vector<16xf32>,
    %mul3A_448 = arith.mulf %gather3A_446, %get3A_5 : vector<16xf32>
    %mul3A_449 = arith.mulf %gather3A_447, %get3A_9 : vector<16xf32>
    %add3A_450 = arith.addf %mul3A_448, %mul3A_449 : vector<16xf32>
    tpu.vector_store_idx %arg5[%add3A_445, %broadcast_in_dim3A_427], %add3A_450 : memref<32x1024xf32, #tpu.memory_space<vmem>>[vector<16xi32>, vector<16xi32>], vector<16xf32>,
    %mul3A_451 = arith.mulf %gather3A_446, %get3A_9 : vector<16xf32>
    %mul3A_452 = arith.mulf %gather3A_447, %get3A_5 : vector<16xf32>
    %sub3A_453 = arith.subf %mul3A_451, %mul3A_452 : vector<16xf32>
    tpu.vector_store_idx %arg5[%add3A_445, %broadcast_in_dim3A_429], %sub3A_453 : memref<32x1024xf32, #tpu.memory_space<vmem>>[vector<16xi32>, vector<16xi32>], vector<16xf32>,
    %add3A_454 = arith.constant 256 : i32
    %add3A_455 = arith.addi %mul3A_2, %add3A_454 : i32
    %dma_start3A_456 = arith.constant 0 : i32
    %dma_start3A_457 = tpu.memref_slice %arg4[%add3A_455, %dma_start3A_456] : memref<16384x1024xf32, #tpu.memory_space<hbm>> -> memref<32x1024xf32, #tpu.memory_space<hbm>>
    %dma_start3A_458 = arith.constant 0 : i32
    %dma_start3A_459 = tpu.memref_slice %arg4[%add3A_455, %dma_start3A_458] : memref<16384x1024xf32, #tpu.memory_space<hbm>> -> memref<32x1024xf32, #tpu.memory_space<hbm>>
    tpu.enqueue_dma source(%arg5 : memref<32x1024xf32, #tpu.memory_space<vmem>>) target(%dma_start3A_459 : memref<32x1024xf32, #tpu.memory_space<hbm>>) target_semaphore(%arg10 : memref<!tpu.dma_semaphore, #tpu.memory_space<semaphore_mem>>)
    %add3A_460 = arith.constant 224 : i32
    %add3A_461 = arith.addi %mul3A_2, %add3A_460 : i32
    %dma_wait3A_462 = arith.constant 0 : i32
    %dma_wait3A_463 = tpu.memref_slice %arg4[%add3A_461, %dma_wait3A_462] : memref<16384x1024xf32, #tpu.memory_space<hbm>> -> memref<32x1024xf32, #tpu.memory_space<hbm>>
    %dma_wait3A_464 = arith.constant 0 : i32
    %dma_wait3A_465 = tpu.memref_slice %arg4[%add3A_461, %dma_wait3A_464] : memref<16384x1024xf32, #tpu.memory_space<hbm>> -> memref<32x1024xf32, #tpu.memory_space<hbm>>
    tpu.wait_dma2 semaphore(%arg11 : memref<!tpu.dma_semaphore, #tpu.memory_space<semaphore_mem>>) src(%arg6 : memref<32x1024xf32, #tpu.memory_space<vmem>>) dst(%dma_wait3A_465 : memref<32x1024xf32, #tpu.memory_space<hbm>>)
    %add3A_466 = arith.constant 288 : i32
    %add3A_467 = arith.addi %mul3A_2, %add3A_466 : i32
    %dma_start3A_468 = arith.constant 0 : i32
    %dma_start3A_469 = tpu.memref_slice %arg2[%add3A_467, %dma_start3A_468] : memref<16384x1024xf32, #tpu.memory_space<hbm>> -> memref<32x1024xf32, #tpu.memory_space<hbm>>
    %dma_start3A_470 = arith.constant 0 : i32
    %dma_start3A_471 = tpu.memref_slice %arg2[%add3A_467, %dma_start3A_470] : memref<16384x1024xf32, #tpu.memory_space<hbm>> -> memref<32x1024xf32, #tpu.memory_space<hbm>>
    tpu.enqueue_dma source(%dma_start3A_471 : memref<32x1024xf32, #tpu.memory_space<hbm>>) target(%arg6 : memref<32x1024xf32, #tpu.memory_space<vmem>>) target_semaphore(%arg9 : memref<!tpu.dma_semaphore, #tpu.memory_space<semaphore_mem>>)
    %add3A_472 = arith.constant 288 : i32
    %add3A_473 = arith.addi %mul3A_2, %add3A_472 : i32
    %dma_wait3A_474 = arith.constant 0 : i32
    %dma_wait3A_475 = tpu.memref_slice %arg2[%add3A_473, %dma_wait3A_474] : memref<16384x1024xf32, #tpu.memory_space<hbm>> -> memref<32x1024xf32, #tpu.memory_space<hbm>>
    %dma_wait3A_476 = arith.constant 0 : i32
    %dma_wait3A_477 = tpu.memref_slice %arg2[%add3A_473, %dma_wait3A_476] : memref<16384x1024xf32, #tpu.memory_space<hbm>> -> memref<32x1024xf32, #tpu.memory_space<hbm>>
    tpu.wait_dma2 semaphore(%arg9 : memref<!tpu.dma_semaphore, #tpu.memory_space<semaphore_mem>>) src(%dma_wait3A_477 : memref<32x1024xf32, #tpu.memory_space<hbm>>) dst(%arg6 : memref<32x1024xf32, #tpu.memory_space<vmem>>)
    %broadcast_in_dim3A_478 = arith.constant 3 : i32
    %broadcast_in_dim3A_479 = vector.broadcast %broadcast_in_dim3A_478 : i32 to vector<16xi32>
    %broadcast_in_dim3A_480 = arith.constant 700 : i32
    %broadcast_in_dim3A_481 = vector.broadcast %broadcast_in_dim3A_480 : i32 to vector<16xi32>
    %iota3A_482 = tpu.iota {dimensions = array<i32: 0>} : vector<16xi32>
    %add3A_483 = arith.constant 0 : i32
    %add3A_484 = vector.broadcast %add3A_483 : i32 to vector<16xi32>
    %add3A_485 = arith.addi %iota3A_482, %add3A_484 : vector<16xi32>
    %gather3A_486 = tpu.vector_load_idx %arg6[%add3A_485, %broadcast_in_dim3A_479] : memref<32x1024xf32, #tpu.memory_space<vmem>>[vector<16xi32>, vector<16xi32>], vector<16xf32>,
    %gather3A_487 = tpu.vector_load_idx %arg6[%add3A_485, %broadcast_in_dim3A_481] : memref<32x1024xf32, #tpu.memory_space<vmem>>[vector<16xi32>, vector<16xi32>], vector<16xf32>,
    %mul3A_488 = arith.mulf %gather3A_486, %get3A_5 : vector<16xf32>
    %mul3A_489 = arith.mulf %gather3A_487, %get3A_9 : vector<16xf32>
    %add3A_490 = arith.addf %mul3A_488, %mul3A_489 : vector<16xf32>
    tpu.vector_store_idx %arg6[%add3A_485, %broadcast_in_dim3A_479], %add3A_490 : memref<32x1024xf32, #tpu.memory_space<vmem>>[vector<16xi32>, vector<16xi32>], vector<16xf32>,
    %mul3A_491 = arith.mulf %gather3A_486, %get3A_9 : vector<16xf32>
    %mul3A_492 = arith.mulf %gather3A_487, %get3A_5 : vector<16xf32>
    %sub3A_493 = arith.subf %mul3A_491, %mul3A_492 : vector<16xf32>
    tpu.vector_store_idx %arg6[%add3A_485, %broadcast_in_dim3A_481], %sub3A_493 : memref<32x1024xf32, #tpu.memory_space<vmem>>[vector<16xi32>, vector<16xi32>], vector<16xf32>,
    %iota3A_494 = tpu.iota {dimensions = array<i32: 0>} : vector<16xi32>
    %add3A_495 = arith.constant 16 : i32
    %add3A_496 = vector.broadcast %add3A_495 : i32 to vector<16xi32>
    %add3A_497 = arith.addi %iota3A_494, %add3A_496 : vector<16xi32>
    %gather3A_498 = tpu.vector_load_idx %arg6[%add3A_497, %broadcast_in_dim3A_479] : memref<32x1024xf32, #tpu.memory_space<vmem>>[vector<16xi32>, vector<16xi32>], vector<16xf32>,
    %gather3A_499 = tpu.vector_load_idx %arg6[%add3A_497, %broadcast_in_dim3A_481] : memref<32x1024xf32, #tpu.memory_space<vmem>>[vector<16xi32>, vector<16xi32>], vector<16xf32>,
    %mul3A_500 = arith.mulf %gather3A_498, %get3A_5 : vector<16xf32>
    %mul3A_501 = arith.mulf %gather3A_499, %get3A_9 : vector<16xf32>
    %add3A_502 = arith.addf %mul3A_500, %mul3A_501 : vector<16xf32>
    tpu.vector_store_idx %arg6[%add3A_497, %broadcast_in_dim3A_479], %add3A_502 : memref<32x1024xf32, #tpu.memory_space<vmem>>[vector<16xi32>, vector<16xi32>], vector<16xf32>,
    %mul3A_503 = arith.mulf %gather3A_498, %get3A_9 : vector<16xf32>
    %mul3A_504 = arith.mulf %gather3A_499, %get3A_5 : vector<16xf32>
    %sub3A_505 = arith.subf %mul3A_503, %mul3A_504 : vector<16xf32>
    tpu.vector_store_idx %arg6[%add3A_497, %broadcast_in_dim3A_481], %sub3A_505 : memref<32x1024xf32, #tpu.memory_space<vmem>>[vector<16xi32>, vector<16xi32>], vector<16xf32>,
    %add3A_506 = arith.constant 288 : i32
    %add3A_507 = arith.addi %mul3A_2, %add3A_506 : i32
    %dma_start3A_508 = arith.constant 0 : i32
    %dma_start3A_509 = tpu.memref_slice %arg4[%add3A_507, %dma_start3A_508] : memref<16384x1024xf32, #tpu.memory_space<hbm>> -> memref<32x1024xf32, #tpu.memory_space<hbm>>
    %dma_start3A_510 = arith.constant 0 : i32
    %dma_start3A_511 = tpu.memref_slice %arg4[%add3A_507, %dma_start3A_510] : memref<16384x1024xf32, #tpu.memory_space<hbm>> -> memref<32x1024xf32, #tpu.memory_space<hbm>>
    tpu.enqueue_dma source(%arg6 : memref<32x1024xf32, #tpu.memory_space<vmem>>) target(%dma_start3A_511 : memref<32x1024xf32, #tpu.memory_space<hbm>>) target_semaphore(%arg11 : memref<!tpu.dma_semaphore, #tpu.memory_space<semaphore_mem>>)
    %add3A_512 = arith.constant 256 : i32
    %add3A_513 = arith.addi %mul3A_2, %add3A_512 : i32
    %dma_wait3A_514 = arith.constant 0 : i32
    %dma_wait3A_515 = tpu.memref_slice %arg4[%add3A_513, %dma_wait3A_514] : memref<16384x1024xf32, #tpu.memory_space<hbm>> -> memref<32x1024xf32, #tpu.memory_space<hbm>>
    %dma_wait3A_516 = arith.constant 0 : i32
    %dma_wait3A_517 = tpu.memref_slice %arg4[%add3A_513, %dma_wait3A_516] : memref<16384x1024xf32, #tpu.memory_space<hbm>> -> memref<32x1024xf32, #tpu.memory_space<hbm>>
    tpu.wait_dma2 semaphore(%arg10 : memref<!tpu.dma_semaphore, #tpu.memory_space<semaphore_mem>>) src(%arg5 : memref<32x1024xf32, #tpu.memory_space<vmem>>) dst(%dma_wait3A_517 : memref<32x1024xf32, #tpu.memory_space<hbm>>)
    %add3A_518 = arith.constant 320 : i32
    %add3A_519 = arith.addi %mul3A_2, %add3A_518 : i32
    %dma_start3A_520 = arith.constant 0 : i32
    %dma_start3A_521 = tpu.memref_slice %arg2[%add3A_519, %dma_start3A_520] : memref<16384x1024xf32, #tpu.memory_space<hbm>> -> memref<32x1024xf32, #tpu.memory_space<hbm>>
    %dma_start3A_522 = arith.constant 0 : i32
    %dma_start3A_523 = tpu.memref_slice %arg2[%add3A_519, %dma_start3A_522] : memref<16384x1024xf32, #tpu.memory_space<hbm>> -> memref<32x1024xf32, #tpu.memory_space<hbm>>
    tpu.enqueue_dma source(%dma_start3A_523 : memref<32x1024xf32, #tpu.memory_space<hbm>>) target(%arg5 : memref<32x1024xf32, #tpu.memory_space<vmem>>) target_semaphore(%arg8 : memref<!tpu.dma_semaphore, #tpu.memory_space<semaphore_mem>>)
    %add3A_524 = arith.constant 320 : i32
    %add3A_525 = arith.addi %mul3A_2, %add3A_524 : i32
    %dma_wait3A_526 = arith.constant 0 : i32
    %dma_wait3A_527 = tpu.memref_slice %arg2[%add3A_525, %dma_wait3A_526] : memref<16384x1024xf32, #tpu.memory_space<hbm>> -> memref<32x1024xf32, #tpu.memory_space<hbm>>
    %dma_wait3A_528 = arith.constant 0 : i32
    %dma_wait3A_529 = tpu.memref_slice %arg2[%add3A_525, %dma_wait3A_528] : memref<16384x1024xf32, #tpu.memory_space<hbm>> -> memref<32x1024xf32, #tpu.memory_space<hbm>>
    tpu.wait_dma2 semaphore(%arg8 : memref<!tpu.dma_semaphore, #tpu.memory_space<semaphore_mem>>) src(%dma_wait3A_529 : memref<32x1024xf32, #tpu.memory_space<hbm>>) dst(%arg5 : memref<32x1024xf32, #tpu.memory_space<vmem>>)
    %broadcast_in_dim3A_530 = arith.constant 3 : i32
    %broadcast_in_dim3A_531 = vector.broadcast %broadcast_in_dim3A_530 : i32 to vector<16xi32>
    %broadcast_in_dim3A_532 = arith.constant 700 : i32
    %broadcast_in_dim3A_533 = vector.broadcast %broadcast_in_dim3A_532 : i32 to vector<16xi32>
    %iota3A_534 = tpu.iota {dimensions = array<i32: 0>} : vector<16xi32>
    %add3A_535 = arith.constant 0 : i32
    %add3A_536 = vector.broadcast %add3A_535 : i32 to vector<16xi32>
    %add3A_537 = arith.addi %iota3A_534, %add3A_536 : vector<16xi32>
    %gather3A_538 = tpu.vector_load_idx %arg5[%add3A_537, %broadcast_in_dim3A_531] : memref<32x1024xf32, #tpu.memory_space<vmem>>[vector<16xi32>, vector<16xi32>], vector<16xf32>,
    %gather3A_539 = tpu.vector_load_idx %arg5[%add3A_537, %broadcast_in_dim3A_533] : memref<32x1024xf32, #tpu.memory_space<vmem>>[vector<16xi32>, vector<16xi32>], vector<16xf32>,
    %mul3A_540 = arith.mulf %gather3A_538, %get3A_5 : vector<16xf32>
    %mul3A_541 = arith.mulf %gather3A_539, %get3A_9 : vector<16xf32>
    %add3A_542 = arith.addf %mul3A_540, %mul3A_541 : vector<16xf32>
    tpu.vector_store_idx %arg5[%add3A_537, %broadcast_in_dim3A_531], %add3A_542 : memref<32x1024xf32, #tpu.memory_space<vmem>>[vector<16xi32>, vector<16xi32>], vector<16xf32>,
    %mul3A_543 = arith.mulf %gather3A_538, %get3A_9 : vector<16xf32>
    %mul3A_544 = arith.mulf %gather3A_539, %get3A_5 : vector<16xf32>
    %sub3A_545 = arith.subf %mul3A_543, %mul3A_544 : vector<16xf32>
    tpu.vector_store_idx %arg5[%add3A_537, %broadcast_in_dim3A_533], %sub3A_545 : memref<32x1024xf32, #tpu.memory_space<vmem>>[vector<16xi32>, vector<16xi32>], vector<16xf32>,
    %iota3A_546 = tpu.iota {dimensions = array<i32: 0>} : vector<16xi32>
    %add3A_547 = arith.constant 16 : i32
    %add3A_548 = vector.broadcast %add3A_547 : i32 to vector<16xi32>
    %add3A_549 = arith.addi %iota3A_546, %add3A_548 : vector<16xi32>
    %gather3A_550 = tpu.vector_load_idx %arg5[%add3A_549, %broadcast_in_dim3A_531] : memref<32x1024xf32, #tpu.memory_space<vmem>>[vector<16xi32>, vector<16xi32>], vector<16xf32>,
    %gather3A_551 = tpu.vector_load_idx %arg5[%add3A_549, %broadcast_in_dim3A_533] : memref<32x1024xf32, #tpu.memory_space<vmem>>[vector<16xi32>, vector<16xi32>], vector<16xf32>,
    %mul3A_552 = arith.mulf %gather3A_550, %get3A_5 : vector<16xf32>
    %mul3A_553 = arith.mulf %gather3A_551, %get3A_9 : vector<16xf32>
    %add3A_554 = arith.addf %mul3A_552, %mul3A_553 : vector<16xf32>
    tpu.vector_store_idx %arg5[%add3A_549, %broadcast_in_dim3A_531], %add3A_554 : memref<32x1024xf32, #tpu.memory_space<vmem>>[vector<16xi32>, vector<16xi32>], vector<16xf32>,
    %mul3A_555 = arith.mulf %gather3A_550, %get3A_9 : vector<16xf32>
    %mul3A_556 = arith.mulf %gather3A_551, %get3A_5 : vector<16xf32>
    %sub3A_557 = arith.subf %mul3A_555, %mul3A_556 : vector<16xf32>
    tpu.vector_store_idx %arg5[%add3A_549, %broadcast_in_dim3A_533], %sub3A_557 : memref<32x1024xf32, #tpu.memory_space<vmem>>[vector<16xi32>, vector<16xi32>], vector<16xf32>,
    %add3A_558 = arith.constant 320 : i32
    %add3A_559 = arith.addi %mul3A_2, %add3A_558 : i32
    %dma_start3A_560 = arith.constant 0 : i32
    %dma_start3A_561 = tpu.memref_slice %arg4[%add3A_559, %dma_start3A_560] : memref<16384x1024xf32, #tpu.memory_space<hbm>> -> memref<32x1024xf32, #tpu.memory_space<hbm>>
    %dma_start3A_562 = arith.constant 0 : i32
    %dma_start3A_563 = tpu.memref_slice %arg4[%add3A_559, %dma_start3A_562] : memref<16384x1024xf32, #tpu.memory_space<hbm>> -> memref<32x1024xf32, #tpu.memory_space<hbm>>
    tpu.enqueue_dma source(%arg5 : memref<32x1024xf32, #tpu.memory_space<vmem>>) target(%dma_start3A_563 : memref<32x1024xf32, #tpu.memory_space<hbm>>) target_semaphore(%arg10 : memref<!tpu.dma_semaphore, #tpu.memory_space<semaphore_mem>>)
    %add3A_564 = arith.constant 288 : i32
    %add3A_565 = arith.addi %mul3A_2, %add3A_564 : i32
    %dma_wait3A_566 = arith.constant 0 : i32
    %dma_wait3A_567 = tpu.memref_slice %arg4[%add3A_565, %dma_wait3A_566] : memref<16384x1024xf32, #tpu.memory_space<hbm>> -> memref<32x1024xf32, #tpu.memory_space<hbm>>
    %dma_wait3A_568 = arith.constant 0 : i32
    %dma_wait3A_569 = tpu.memref_slice %arg4[%add3A_565, %dma_wait3A_568] : memref<16384x1024xf32, #tpu.memory_space<hbm>> -> memref<32x1024xf32, #tpu.memory_space<hbm>>
    tpu.wait_dma2 semaphore(%arg11 : memref<!tpu.dma_semaphore, #tpu.memory_space<semaphore_mem>>) src(%arg6 : memref<32x1024xf32, #tpu.memory_space<vmem>>) dst(%dma_wait3A_569 : memref<32x1024xf32, #tpu.memory_space<hbm>>)
    %add3A_570 = arith.constant 352 : i32
    %add3A_571 = arith.addi %mul3A_2, %add3A_570 : i32
    %dma_start3A_572 = arith.constant 0 : i32
    %dma_start3A_573 = tpu.memref_slice %arg2[%add3A_571, %dma_start3A_572] : memref<16384x1024xf32, #tpu.memory_space<hbm>> -> memref<32x1024xf32, #tpu.memory_space<hbm>>
    %dma_start3A_574 = arith.constant 0 : i32
    %dma_start3A_575 = tpu.memref_slice %arg2[%add3A_571, %dma_start3A_574] : memref<16384x1024xf32, #tpu.memory_space<hbm>> -> memref<32x1024xf32, #tpu.memory_space<hbm>>
    tpu.enqueue_dma source(%dma_start3A_575 : memref<32x1024xf32, #tpu.memory_space<hbm>>) target(%arg6 : memref<32x1024xf32, #tpu.memory_space<vmem>>) target_semaphore(%arg9 : memref<!tpu.dma_semaphore, #tpu.memory_space<semaphore_mem>>)
    %add3A_576 = arith.constant 352 : i32
    %add3A_577 = arith.addi %mul3A_2, %add3A_576 : i32
    %dma_wait3A_578 = arith.constant 0 : i32
    %dma_wait3A_579 = tpu.memref_slice %arg2[%add3A_577, %dma_wait3A_578] : memref<16384x1024xf32, #tpu.memory_space<hbm>> -> memref<32x1024xf32, #tpu.memory_space<hbm>>
    %dma_wait3A_580 = arith.constant 0 : i32
    %dma_wait3A_581 = tpu.memref_slice %arg2[%add3A_577, %dma_wait3A_580] : memref<16384x1024xf32, #tpu.memory_space<hbm>> -> memref<32x1024xf32, #tpu.memory_space<hbm>>
    tpu.wait_dma2 semaphore(%arg9 : memref<!tpu.dma_semaphore, #tpu.memory_space<semaphore_mem>>) src(%dma_wait3A_581 : memref<32x1024xf32, #tpu.memory_space<hbm>>) dst(%arg6 : memref<32x1024xf32, #tpu.memory_space<vmem>>)
    %broadcast_in_dim3A_582 = arith.constant 3 : i32
    %broadcast_in_dim3A_583 = vector.broadcast %broadcast_in_dim3A_582 : i32 to vector<16xi32>
    %broadcast_in_dim3A_584 = arith.constant 700 : i32
    %broadcast_in_dim3A_585 = vector.broadcast %broadcast_in_dim3A_584 : i32 to vector<16xi32>
    %iota3A_586 = tpu.iota {dimensions = array<i32: 0>} : vector<16xi32>
    %add3A_587 = arith.constant 0 : i32
    %add3A_588 = vector.broadcast %add3A_587 : i32 to vector<16xi32>
    %add3A_589 = arith.addi %iota3A_586, %add3A_588 : vector<16xi32>
    %gather3A_590 = tpu.vector_load_idx %arg6[%add3A_589, %broadcast_in_dim3A_583] : memref<32x1024xf32, #tpu.memory_space<vmem>>[vector<16xi32>, vector<16xi32>], vector<16xf32>,
    %gather3A_591 = tpu.vector_load_idx %arg6[%add3A_589, %broadcast_in_dim3A_585] : memref<32x1024xf32, #tpu.memory_space<vmem>>[vector<16xi32>, vector<16xi32>], vector<16xf32>,
    %mul3A_592 = arith.mulf %gather3A_590, %get3A_5 : vector<16xf32>
    %mul3A_593 = arith.mulf %gather3A_591, %get3A_9 : vector<16xf32>
    %add3A_594 = arith.addf %mul3A_592, %mul3A_593 : vector<16xf32>
    tpu.vector_store_idx %arg6[%add3A_589, %broadcast_in_dim3A_583], %add3A_594 : memref<32x1024xf32, #tpu.memory_space<vmem>>[vector<16xi32>, vector<16xi32>], vector<16xf32>,
    %mul3A_595 = arith.mulf %gather3A_590, %get3A_9 : vector<16xf32>
    %mul3A_596 = arith.mulf %gather3A_591, %get3A_5 : vector<16xf32>
    %sub3A_597 = arith.subf %mul3A_595, %mul3A_596 : vector<16xf32>
    tpu.vector_store_idx %arg6[%add3A_589, %broadcast_in_dim3A_585], %sub3A_597 : memref<32x1024xf32, #tpu.memory_space<vmem>>[vector<16xi32>, vector<16xi32>], vector<16xf32>,
    %iota3A_598 = tpu.iota {dimensions = array<i32: 0>} : vector<16xi32>
    %add3A_599 = arith.constant 16 : i32
    %add3A_600 = vector.broadcast %add3A_599 : i32 to vector<16xi32>
    %add3A_601 = arith.addi %iota3A_598, %add3A_600 : vector<16xi32>
    %gather3A_602 = tpu.vector_load_idx %arg6[%add3A_601, %broadcast_in_dim3A_583] : memref<32x1024xf32, #tpu.memory_space<vmem>>[vector<16xi32>, vector<16xi32>], vector<16xf32>,
    %gather3A_603 = tpu.vector_load_idx %arg6[%add3A_601, %broadcast_in_dim3A_585] : memref<32x1024xf32, #tpu.memory_space<vmem>>[vector<16xi32>, vector<16xi32>], vector<16xf32>,
    %mul3A_604 = arith.mulf %gather3A_602, %get3A_5 : vector<16xf32>
    %mul3A_605 = arith.mulf %gather3A_603, %get3A_9 : vector<16xf32>
    %add3A_606 = arith.addf %mul3A_604, %mul3A_605 : vector<16xf32>
    tpu.vector_store_idx %arg6[%add3A_601, %broadcast_in_dim3A_583], %add3A_606 : memref<32x1024xf32, #tpu.memory_space<vmem>>[vector<16xi32>, vector<16xi32>], vector<16xf32>,
    %mul3A_607 = arith.mulf %gather3A_602, %get3A_9 : vector<16xf32>
    %mul3A_608 = arith.mulf %gather3A_603, %get3A_5 : vector<16xf32>
    %sub3A_609 = arith.subf %mul3A_607, %mul3A_608 : vector<16xf32>
    tpu.vector_store_idx %arg6[%add3A_601, %broadcast_in_dim3A_585], %sub3A_609 : memref<32x1024xf32, #tpu.memory_space<vmem>>[vector<16xi32>, vector<16xi32>], vector<16xf32>,
    %add3A_610 = arith.constant 352 : i32
    %add3A_611 = arith.addi %mul3A_2, %add3A_610 : i32
    %dma_start3A_612 = arith.constant 0 : i32
    %dma_start3A_613 = tpu.memref_slice %arg4[%add3A_611, %dma_start3A_612] : memref<16384x1024xf32, #tpu.memory_space<hbm>> -> memref<32x1024xf32, #tpu.memory_space<hbm>>
    %dma_start3A_614 = arith.constant 0 : i32
    %dma_start3A_615 = tpu.memref_slice %arg4[%add3A_611, %dma_start3A_614] : memref<16384x1024xf32, #tpu.memory_space<hbm>> -> memref<32x1024xf32, #tpu.memory_space<hbm>>
    tpu.enqueue_dma source(%arg6 : memref<32x1024xf32, #tpu.memory_space<vmem>>) target(%dma_start3A_615 : memref<32x1024xf32, #tpu.memory_space<hbm>>) target_semaphore(%arg11 : memref<!tpu.dma_semaphore, #tpu.memory_space<semaphore_mem>>)
    %add3A_616 = arith.constant 320 : i32
    %add3A_617 = arith.addi %mul3A_2, %add3A_616 : i32
    %dma_wait3A_618 = arith.constant 0 : i32
    %dma_wait3A_619 = tpu.memref_slice %arg4[%add3A_617, %dma_wait3A_618] : memref<16384x1024xf32, #tpu.memory_space<hbm>> -> memref<32x1024xf32, #tpu.memory_space<hbm>>
    %dma_wait3A_620 = arith.constant 0 : i32
    %dma_wait3A_621 = tpu.memref_slice %arg4[%add3A_617, %dma_wait3A_620] : memref<16384x1024xf32, #tpu.memory_space<hbm>> -> memref<32x1024xf32, #tpu.memory_space<hbm>>
    tpu.wait_dma2 semaphore(%arg10 : memref<!tpu.dma_semaphore, #tpu.memory_space<semaphore_mem>>) src(%arg5 : memref<32x1024xf32, #tpu.memory_space<vmem>>) dst(%dma_wait3A_621 : memref<32x1024xf32, #tpu.memory_space<hbm>>)
    %add3A_622 = arith.constant 384 : i32
    %add3A_623 = arith.addi %mul3A_2, %add3A_622 : i32
    %dma_start3A_624 = arith.constant 0 : i32
    %dma_start3A_625 = tpu.memref_slice %arg2[%add3A_623, %dma_start3A_624] : memref<16384x1024xf32, #tpu.memory_space<hbm>> -> memref<32x1024xf32, #tpu.memory_space<hbm>>
    %dma_start3A_626 = arith.constant 0 : i32
    %dma_start3A_627 = tpu.memref_slice %arg2[%add3A_623, %dma_start3A_626] : memref<16384x1024xf32, #tpu.memory_space<hbm>> -> memref<32x1024xf32, #tpu.memory_space<hbm>>
    tpu.enqueue_dma source(%dma_start3A_627 : memref<32x1024xf32, #tpu.memory_space<hbm>>) target(%arg5 : memref<32x1024xf32, #tpu.memory_space<vmem>>) target_semaphore(%arg8 : memref<!tpu.dma_semaphore, #tpu.memory_space<semaphore_mem>>)
    %add3A_628 = arith.constant 384 : i32
    %add3A_629 = arith.addi %mul3A_2, %add3A_628 : i32
    %dma_wait3A_630 = arith.constant 0 : i32
    %dma_wait3A_631 = tpu.memref_slice %arg2[%add3A_629, %dma_wait3A_630] : memref<16384x1024xf32, #tpu.memory_space<hbm>> -> memref<32x1024xf32, #tpu.memory_space<hbm>>
    %dma_wait3A_632 = arith.constant 0 : i32
    %dma_wait3A_633 = tpu.memref_slice %arg2[%add3A_629, %dma_wait3A_632] : memref<16384x1024xf32, #tpu.memory_space<hbm>> -> memref<32x1024xf32, #tpu.memory_space<hbm>>
    tpu.wait_dma2 semaphore(%arg8 : memref<!tpu.dma_semaphore, #tpu.memory_space<semaphore_mem>>) src(%dma_wait3A_633 : memref<32x1024xf32, #tpu.memory_space<hbm>>) dst(%arg5 : memref<32x1024xf32, #tpu.memory_space<vmem>>)
    %broadcast_in_dim3A_634 = arith.constant 3 : i32
    %broadcast_in_dim3A_635 = vector.broadcast %broadcast_in_dim3A_634 : i32 to vector<16xi32>
    %broadcast_in_dim3A_636 = arith.constant 700 : i32
    %broadcast_in_dim3A_637 = vector.broadcast %broadcast_in_dim3A_636 : i32 to vector<16xi32>
    %iota3A_638 = tpu.iota {dimensions = array<i32: 0>} : vector<16xi32>
    %add3A_639 = arith.constant 0 : i32
    %add3A_640 = vector.broadcast %add3A_639 : i32 to vector<16xi32>
    %add3A_641 = arith.addi %iota3A_638, %add3A_640 : vector<16xi32>
    %gather3A_642 = tpu.vector_load_idx %arg5[%add3A_641, %broadcast_in_dim3A_635] : memref<32x1024xf32, #tpu.memory_space<vmem>>[vector<16xi32>, vector<16xi32>], vector<16xf32>,
    %gather3A_643 = tpu.vector_load_idx %arg5[%add3A_641, %broadcast_in_dim3A_637] : memref<32x1024xf32, #tpu.memory_space<vmem>>[vector<16xi32>, vector<16xi32>], vector<16xf32>,
    %mul3A_644 = arith.mulf %gather3A_642, %get3A_5 : vector<16xf32>
    %mul3A_645 = arith.mulf %gather3A_643, %get3A_9 : vector<16xf32>
    %add3A_646 = arith.addf %mul3A_644, %mul3A_645 : vector<16xf32>
    tpu.vector_store_idx %arg5[%add3A_641, %broadcast_in_dim3A_635], %add3A_646 : memref<32x1024xf32, #tpu.memory_space<vmem>>[vector<16xi32>, vector<16xi32>], vector<16xf32>,
    %mul3A_647 = arith.mulf %gather3A_642, %get3A_9 : vector<16xf32>
    %mul3A_648 = arith.mulf %gather3A_643, %get3A_5 : vector<16xf32>
    %sub3A_649 = arith.subf %mul3A_647, %mul3A_648 : vector<16xf32>
    tpu.vector_store_idx %arg5[%add3A_641, %broadcast_in_dim3A_637], %sub3A_649 : memref<32x1024xf32, #tpu.memory_space<vmem>>[vector<16xi32>, vector<16xi32>], vector<16xf32>,
    %iota3A_650 = tpu.iota {dimensions = array<i32: 0>} : vector<16xi32>
    %add3A_651 = arith.constant 16 : i32
    %add3A_652 = vector.broadcast %add3A_651 : i32 to vector<16xi32>
    %add3A_653 = arith.addi %iota3A_650, %add3A_652 : vector<16xi32>
    %gather3A_654 = tpu.vector_load_idx %arg5[%add3A_653, %broadcast_in_dim3A_635] : memref<32x1024xf32, #tpu.memory_space<vmem>>[vector<16xi32>, vector<16xi32>], vector<16xf32>,
    %gather3A_655 = tpu.vector_load_idx %arg5[%add3A_653, %broadcast_in_dim3A_637] : memref<32x1024xf32, #tpu.memory_space<vmem>>[vector<16xi32>, vector<16xi32>], vector<16xf32>,
    %mul3A_656 = arith.mulf %gather3A_654, %get3A_5 : vector<16xf32>
    %mul3A_657 = arith.mulf %gather3A_655, %get3A_9 : vector<16xf32>
    %add3A_658 = arith.addf %mul3A_656, %mul3A_657 : vector<16xf32>
    tpu.vector_store_idx %arg5[%add3A_653, %broadcast_in_dim3A_635], %add3A_658 : memref<32x1024xf32, #tpu.memory_space<vmem>>[vector<16xi32>, vector<16xi32>], vector<16xf32>,
    %mul3A_659 = arith.mulf %gather3A_654, %get3A_9 : vector<16xf32>
    %mul3A_660 = arith.mulf %gather3A_655, %get3A_5 : vector<16xf32>
    %sub3A_661 = arith.subf %mul3A_659, %mul3A_660 : vector<16xf32>
    tpu.vector_store_idx %arg5[%add3A_653, %broadcast_in_dim3A_637], %sub3A_661 : memref<32x1024xf32, #tpu.memory_space<vmem>>[vector<16xi32>, vector<16xi32>], vector<16xf32>,
    %add3A_662 = arith.constant 384 : i32
    %add3A_663 = arith.addi %mul3A_2, %add3A_662 : i32
    %dma_start3A_664 = arith.constant 0 : i32
    %dma_start3A_665 = tpu.memref_slice %arg4[%add3A_663, %dma_start3A_664] : memref<16384x1024xf32, #tpu.memory_space<hbm>> -> memref<32x1024xf32, #tpu.memory_space<hbm>>
    %dma_start3A_666 = arith.constant 0 : i32
    %dma_start3A_667 = tpu.memref_slice %arg4[%add3A_663, %dma_start3A_666] : memref<16384x1024xf32, #tpu.memory_space<hbm>> -> memref<32x1024xf32, #tpu.memory_space<hbm>>
    tpu.enqueue_dma source(%arg5 : memref<32x1024xf32, #tpu.memory_space<vmem>>) target(%dma_start3A_667 : memref<32x1024xf32, #tpu.memory_space<hbm>>) target_semaphore(%arg10 : memref<!tpu.dma_semaphore, #tpu.memory_space<semaphore_mem>>)
    %add3A_668 = arith.constant 352 : i32
    %add3A_669 = arith.addi %mul3A_2, %add3A_668 : i32
    %dma_wait3A_670 = arith.constant 0 : i32
    %dma_wait3A_671 = tpu.memref_slice %arg4[%add3A_669, %dma_wait3A_670] : memref<16384x1024xf32, #tpu.memory_space<hbm>> -> memref<32x1024xf32, #tpu.memory_space<hbm>>
    %dma_wait3A_672 = arith.constant 0 : i32
    %dma_wait3A_673 = tpu.memref_slice %arg4[%add3A_669, %dma_wait3A_672] : memref<16384x1024xf32, #tpu.memory_space<hbm>> -> memref<32x1024xf32, #tpu.memory_space<hbm>>
    tpu.wait_dma2 semaphore(%arg11 : memref<!tpu.dma_semaphore, #tpu.memory_space<semaphore_mem>>) src(%arg6 : memref<32x1024xf32, #tpu.memory_space<vmem>>) dst(%dma_wait3A_673 : memref<32x1024xf32, #tpu.memory_space<hbm>>)
    %add3A_674 = arith.constant 416 : i32
    %add3A_675 = arith.addi %mul3A_2, %add3A_674 : i32
    %dma_start3A_676 = arith.constant 0 : i32
    %dma_start3A_677 = tpu.memref_slice %arg2[%add3A_675, %dma_start3A_676] : memref<16384x1024xf32, #tpu.memory_space<hbm>> -> memref<32x1024xf32, #tpu.memory_space<hbm>>
    %dma_start3A_678 = arith.constant 0 : i32
    %dma_start3A_679 = tpu.memref_slice %arg2[%add3A_675, %dma_start3A_678] : memref<16384x1024xf32, #tpu.memory_space<hbm>> -> memref<32x1024xf32, #tpu.memory_space<hbm>>
    tpu.enqueue_dma source(%dma_start3A_679 : memref<32x1024xf32, #tpu.memory_space<hbm>>) target(%arg6 : memref<32x1024xf32, #tpu.memory_space<vmem>>) target_semaphore(%arg9 : memref<!tpu.dma_semaphore, #tpu.memory_space<semaphore_mem>>)
    %add3A_680 = arith.constant 416 : i32
    %add3A_681 = arith.addi %mul3A_2, %add3A_680 : i32
    %dma_wait3A_682 = arith.constant 0 : i32
    %dma_wait3A_683 = tpu.memref_slice %arg2[%add3A_681, %dma_wait3A_682] : memref<16384x1024xf32, #tpu.memory_space<hbm>> -> memref<32x1024xf32, #tpu.memory_space<hbm>>
    %dma_wait3A_684 = arith.constant 0 : i32
    %dma_wait3A_685 = tpu.memref_slice %arg2[%add3A_681, %dma_wait3A_684] : memref<16384x1024xf32, #tpu.memory_space<hbm>> -> memref<32x1024xf32, #tpu.memory_space<hbm>>
    tpu.wait_dma2 semaphore(%arg9 : memref<!tpu.dma_semaphore, #tpu.memory_space<semaphore_mem>>) src(%dma_wait3A_685 : memref<32x1024xf32, #tpu.memory_space<hbm>>) dst(%arg6 : memref<32x1024xf32, #tpu.memory_space<vmem>>)
    %broadcast_in_dim3A_686 = arith.constant 3 : i32
    %broadcast_in_dim3A_687 = vector.broadcast %broadcast_in_dim3A_686 : i32 to vector<16xi32>
    %broadcast_in_dim3A_688 = arith.constant 700 : i32
    %broadcast_in_dim3A_689 = vector.broadcast %broadcast_in_dim3A_688 : i32 to vector<16xi32>
    %iota3A_690 = tpu.iota {dimensions = array<i32: 0>} : vector<16xi32>
    %add3A_691 = arith.constant 0 : i32
    %add3A_692 = vector.broadcast %add3A_691 : i32 to vector<16xi32>
    %add3A_693 = arith.addi %iota3A_690, %add3A_692 : vector<16xi32>
    %gather3A_694 = tpu.vector_load_idx %arg6[%add3A_693, %broadcast_in_dim3A_687] : memref<32x1024xf32, #tpu.memory_space<vmem>>[vector<16xi32>, vector<16xi32>], vector<16xf32>,
    %gather3A_695 = tpu.vector_load_idx %arg6[%add3A_693, %broadcast_in_dim3A_689] : memref<32x1024xf32, #tpu.memory_space<vmem>>[vector<16xi32>, vector<16xi32>], vector<16xf32>,
    %mul3A_696 = arith.mulf %gather3A_694, %get3A_5 : vector<16xf32>
    %mul3A_697 = arith.mulf %gather3A_695, %get3A_9 : vector<16xf32>
    %add3A_698 = arith.addf %mul3A_696, %mul3A_697 : vector<16xf32>
    tpu.vector_store_idx %arg6[%add3A_693, %broadcast_in_dim3A_687], %add3A_698 : memref<32x1024xf32, #tpu.memory_space<vmem>>[vector<16xi32>, vector<16xi32>], vector<16xf32>,
    %mul3A_699 = arith.mulf %gather3A_694, %get3A_9 : vector<16xf32>
    %mul3A_700 = arith.mulf %gather3A_695, %get3A_5 : vector<16xf32>
    %sub3A_701 = arith.subf %mul3A_699, %mul3A_700 : vector<16xf32>
    tpu.vector_store_idx %arg6[%add3A_693, %broadcast_in_dim3A_689], %sub3A_701 : memref<32x1024xf32, #tpu.memory_space<vmem>>[vector<16xi32>, vector<16xi32>], vector<16xf32>,
    %iota3A_702 = tpu.iota {dimensions = array<i32: 0>} : vector<16xi32>
    %add3A_703 = arith.constant 16 : i32
    %add3A_704 = vector.broadcast %add3A_703 : i32 to vector<16xi32>
    %add3A_705 = arith.addi %iota3A_702, %add3A_704 : vector<16xi32>
    %gather3A_706 = tpu.vector_load_idx %arg6[%add3A_705, %broadcast_in_dim3A_687] : memref<32x1024xf32, #tpu.memory_space<vmem>>[vector<16xi32>, vector<16xi32>], vector<16xf32>,
    %gather3A_707 = tpu.vector_load_idx %arg6[%add3A_705, %broadcast_in_dim3A_689] : memref<32x1024xf32, #tpu.memory_space<vmem>>[vector<16xi32>, vector<16xi32>], vector<16xf32>,
    %mul3A_708 = arith.mulf %gather3A_706, %get3A_5 : vector<16xf32>
    %mul3A_709 = arith.mulf %gather3A_707, %get3A_9 : vector<16xf32>
    %add3A_710 = arith.addf %mul3A_708, %mul3A_709 : vector<16xf32>
    tpu.vector_store_idx %arg6[%add3A_705, %broadcast_in_dim3A_687], %add3A_710 : memref<32x1024xf32, #tpu.memory_space<vmem>>[vector<16xi32>, vector<16xi32>], vector<16xf32>,
    %mul3A_711 = arith.mulf %gather3A_706, %get3A_9 : vector<16xf32>
    %mul3A_712 = arith.mulf %gather3A_707, %get3A_5 : vector<16xf32>
    %sub3A_713 = arith.subf %mul3A_711, %mul3A_712 : vector<16xf32>
    tpu.vector_store_idx %arg6[%add3A_705, %broadcast_in_dim3A_689], %sub3A_713 : memref<32x1024xf32, #tpu.memory_space<vmem>>[vector<16xi32>, vector<16xi32>], vector<16xf32>,
    %add3A_714 = arith.constant 416 : i32
    %add3A_715 = arith.addi %mul3A_2, %add3A_714 : i32
    %dma_start3A_716 = arith.constant 0 : i32
    %dma_start3A_717 = tpu.memref_slice %arg4[%add3A_715, %dma_start3A_716] : memref<16384x1024xf32, #tpu.memory_space<hbm>> -> memref<32x1024xf32, #tpu.memory_space<hbm>>
    %dma_start3A_718 = arith.constant 0 : i32
    %dma_start3A_719 = tpu.memref_slice %arg4[%add3A_715, %dma_start3A_718] : memref<16384x1024xf32, #tpu.memory_space<hbm>> -> memref<32x1024xf32, #tpu.memory_space<hbm>>
    tpu.enqueue_dma source(%arg6 : memref<32x1024xf32, #tpu.memory_space<vmem>>) target(%dma_start3A_719 : memref<32x1024xf32, #tpu.memory_space<hbm>>) target_semaphore(%arg11 : memref<!tpu.dma_semaphore, #tpu.memory_space<semaphore_mem>>)
    %add3A_720 = arith.constant 384 : i32
    %add3A_721 = arith.addi %mul3A_2, %add3A_720 : i32
    %dma_wait3A_722 = arith.constant 0 : i32
    %dma_wait3A_723 = tpu.memref_slice %arg4[%add3A_721, %dma_wait3A_722] : memref<16384x1024xf32, #tpu.memory_space<hbm>> -> memref<32x1024xf32, #tpu.memory_space<hbm>>
    %dma_wait3A_724 = arith.constant 0 : i32
    %dma_wait3A_725 = tpu.memref_slice %arg4[%add3A_721, %dma_wait3A_724] : memref<16384x1024xf32, #tpu.memory_space<hbm>> -> memref<32x1024xf32, #tpu.memory_space<hbm>>
    tpu.wait_dma2 semaphore(%arg10 : memref<!tpu.dma_semaphore, #tpu.memory_space<semaphore_mem>>) src(%arg5 : memref<32x1024xf32, #tpu.memory_space<vmem>>) dst(%dma_wait3A_725 : memref<32x1024xf32, #tpu.memory_space<hbm>>)
    %add3A_726 = arith.constant 448 : i32
    %add3A_727 = arith.addi %mul3A_2, %add3A_726 : i32
    %dma_start3A_728 = arith.constant 0 : i32
    %dma_start3A_729 = tpu.memref_slice %arg2[%add3A_727, %dma_start3A_728] : memref<16384x1024xf32, #tpu.memory_space<hbm>> -> memref<32x1024xf32, #tpu.memory_space<hbm>>
    %dma_start3A_730 = arith.constant 0 : i32
    %dma_start3A_731 = tpu.memref_slice %arg2[%add3A_727, %dma_start3A_730] : memref<16384x1024xf32, #tpu.memory_space<hbm>> -> memref<32x1024xf32, #tpu.memory_space<hbm>>
    tpu.enqueue_dma source(%dma_start3A_731 : memref<32x1024xf32, #tpu.memory_space<hbm>>) target(%arg5 : memref<32x1024xf32, #tpu.memory_space<vmem>>) target_semaphore(%arg8 : memref<!tpu.dma_semaphore, #tpu.memory_space<semaphore_mem>>)
    %add3A_732 = arith.constant 448 : i32
    %add3A_733 = arith.addi %mul3A_2, %add3A_732 : i32
    %dma_wait3A_734 = arith.constant 0 : i32
    %dma_wait3A_735 = tpu.memref_slice %arg2[%add3A_733, %dma_wait3A_734] : memref<16384x1024xf32, #tpu.memory_space<hbm>> -> memref<32x1024xf32, #tpu.memory_space<hbm>>
    %dma_wait3A_736 = arith.constant 0 : i32
    %dma_wait3A_737 = tpu.memref_slice %arg2[%add3A_733, %dma_wait3A_736] : memref<16384x1024xf32, #tpu.memory_space<hbm>> -> memref<32x1024xf32, #tpu.memory_space<hbm>>
    tpu.wait_dma2 semaphore(%arg8 : memref<!tpu.dma_semaphore, #tpu.memory_space<semaphore_mem>>) src(%dma_wait3A_737 : memref<32x1024xf32, #tpu.memory_space<hbm>>) dst(%arg5 : memref<32x1024xf32, #tpu.memory_space<vmem>>)
    %broadcast_in_dim3A_738 = arith.constant 3 : i32
    %broadcast_in_dim3A_739 = vector.broadcast %broadcast_in_dim3A_738 : i32 to vector<16xi32>
    %broadcast_in_dim3A_740 = arith.constant 700 : i32
    %broadcast_in_dim3A_741 = vector.broadcast %broadcast_in_dim3A_740 : i32 to vector<16xi32>
    %iota3A_742 = tpu.iota {dimensions = array<i32: 0>} : vector<16xi32>
    %add3A_743 = arith.constant 0 : i32
    %add3A_744 = vector.broadcast %add3A_743 : i32 to vector<16xi32>
    %add3A_745 = arith.addi %iota3A_742, %add3A_744 : vector<16xi32>
    %gather3A_746 = tpu.vector_load_idx %arg5[%add3A_745, %broadcast_in_dim3A_739] : memref<32x1024xf32, #tpu.memory_space<vmem>>[vector<16xi32>, vector<16xi32>], vector<16xf32>,
    %gather3A_747 = tpu.vector_load_idx %arg5[%add3A_745, %broadcast_in_dim3A_741] : memref<32x1024xf32, #tpu.memory_space<vmem>>[vector<16xi32>, vector<16xi32>], vector<16xf32>,
    %mul3A_748 = arith.mulf %gather3A_746, %get3A_5 : vector<16xf32>
    %mul3A_749 = arith.mulf %gather3A_747, %get3A_9 : vector<16xf32>
    %add3A_750 = arith.addf %mul3A_748, %mul3A_749 : vector<16xf32>
    tpu.vector_store_idx %arg5[%add3A_745, %broadcast_in_dim3A_739], %add3A_750 : memref<32x1024xf32, #tpu.memory_space<vmem>>[vector<16xi32>, vector<16xi32>], vector<16xf32>,
    %mul3A_751 = arith.mulf %gather3A_746, %get3A_9 : vector<16xf32>
    %mul3A_752 = arith.mulf %gather3A_747, %get3A_5 : vector<16xf32>
    %sub3A_753 = arith.subf %mul3A_751, %mul3A_752 : vector<16xf32>
    tpu.vector_store_idx %arg5[%add3A_745, %broadcast_in_dim3A_741], %sub3A_753 : memref<32x1024xf32, #tpu.memory_space<vmem>>[vector<16xi32>, vector<16xi32>], vector<16xf32>,
    %iota3A_754 = tpu.iota {dimensions = array<i32: 0>} : vector<16xi32>
    %add3A_755 = arith.constant 16 : i32
    %add3A_756 = vector.broadcast %add3A_755 : i32 to vector<16xi32>
    %add3A_757 = arith.addi %iota3A_754, %add3A_756 : vector<16xi32>
    %gather3A_758 = tpu.vector_load_idx %arg5[%add3A_757, %broadcast_in_dim3A_739] : memref<32x1024xf32, #tpu.memory_space<vmem>>[vector<16xi32>, vector<16xi32>], vector<16xf32>,
    %gather3A_759 = tpu.vector_load_idx %arg5[%add3A_757, %broadcast_in_dim3A_741] : memref<32x1024xf32, #tpu.memory_space<vmem>>[vector<16xi32>, vector<16xi32>], vector<16xf32>,
    %mul3A_760 = arith.mulf %gather3A_758, %get3A_5 : vector<16xf32>
    %mul3A_761 = arith.mulf %gather3A_759, %get3A_9 : vector<16xf32>
    %add3A_762 = arith.addf %mul3A_760, %mul3A_761 : vector<16xf32>
    tpu.vector_store_idx %arg5[%add3A_757, %broadcast_in_dim3A_739], %add3A_762 : memref<32x1024xf32, #tpu.memory_space<vmem>>[vector<16xi32>, vector<16xi32>], vector<16xf32>,
    %mul3A_763 = arith.mulf %gather3A_758, %get3A_9 : vector<16xf32>
    %mul3A_764 = arith.mulf %gather3A_759, %get3A_5 : vector<16xf32>
    %sub3A_765 = arith.subf %mul3A_763, %mul3A_764 : vector<16xf32>
    tpu.vector_store_idx %arg5[%add3A_757, %broadcast_in_dim3A_741], %sub3A_765 : memref<32x1024xf32, #tpu.memory_space<vmem>>[vector<16xi32>, vector<16xi32>], vector<16xf32>,
    %add3A_766 = arith.constant 448 : i32
    %add3A_767 = arith.addi %mul3A_2, %add3A_766 : i32
    %dma_start3A_768 = arith.constant 0 : i32
    %dma_start3A_769 = tpu.memref_slice %arg4[%add3A_767, %dma_start3A_768] : memref<16384x1024xf32, #tpu.memory_space<hbm>> -> memref<32x1024xf32, #tpu.memory_space<hbm>>
    %dma_start3A_770 = arith.constant 0 : i32
    %dma_start3A_771 = tpu.memref_slice %arg4[%add3A_767, %dma_start3A_770] : memref<16384x1024xf32, #tpu.memory_space<hbm>> -> memref<32x1024xf32, #tpu.memory_space<hbm>>
    tpu.enqueue_dma source(%arg5 : memref<32x1024xf32, #tpu.memory_space<vmem>>) target(%dma_start3A_771 : memref<32x1024xf32, #tpu.memory_space<hbm>>) target_semaphore(%arg10 : memref<!tpu.dma_semaphore, #tpu.memory_space<semaphore_mem>>)
    %add3A_772 = arith.constant 416 : i32
    %add3A_773 = arith.addi %mul3A_2, %add3A_772 : i32
    %dma_wait3A_774 = arith.constant 0 : i32
    %dma_wait3A_775 = tpu.memref_slice %arg4[%add3A_773, %dma_wait3A_774] : memref<16384x1024xf32, #tpu.memory_space<hbm>> -> memref<32x1024xf32, #tpu.memory_space<hbm>>
    %dma_wait3A_776 = arith.constant 0 : i32
    %dma_wait3A_777 = tpu.memref_slice %arg4[%add3A_773, %dma_wait3A_776] : memref<16384x1024xf32, #tpu.memory_space<hbm>> -> memref<32x1024xf32, #tpu.memory_space<hbm>>
    tpu.wait_dma2 semaphore(%arg11 : memref<!tpu.dma_semaphore, #tpu.memory_space<semaphore_mem>>) src(%arg6 : memref<32x1024xf32, #tpu.memory_space<vmem>>) dst(%dma_wait3A_777 : memref<32x1024xf32, #tpu.memory_space<hbm>>)
    %add3A_778 = arith.constant 480 : i32
    %add3A_779 = arith.addi %mul3A_2, %add3A_778 : i32
    %dma_start3A_780 = arith.constant 0 : i32
    %dma_start3A_781 = tpu.memref_slice %arg2[%add3A_779, %dma_start3A_780] : memref<16384x1024xf32, #tpu.memory_space<hbm>> -> memref<32x1024xf32, #tpu.memory_space<hbm>>
    %dma_start3A_782 = arith.constant 0 : i32
    %dma_start3A_783 = tpu.memref_slice %arg2[%add3A_779, %dma_start3A_782] : memref<16384x1024xf32, #tpu.memory_space<hbm>> -> memref<32x1024xf32, #tpu.memory_space<hbm>>
    tpu.enqueue_dma source(%dma_start3A_783 : memref<32x1024xf32, #tpu.memory_space<hbm>>) target(%arg6 : memref<32x1024xf32, #tpu.memory_space<vmem>>) target_semaphore(%arg9 : memref<!tpu.dma_semaphore, #tpu.memory_space<semaphore_mem>>)
    %add3A_784 = arith.constant 480 : i32
    %add3A_785 = arith.addi %mul3A_2, %add3A_784 : i32
    %dma_wait3A_786 = arith.constant 0 : i32
    %dma_wait3A_787 = tpu.memref_slice %arg2[%add3A_785, %dma_wait3A_786] : memref<16384x1024xf32, #tpu.memory_space<hbm>> -> memref<32x1024xf32, #tpu.memory_space<hbm>>
    %dma_wait3A_788 = arith.constant 0 : i32
    %dma_wait3A_789 = tpu.memref_slice %arg2[%add3A_785, %dma_wait3A_788] : memref<16384x1024xf32, #tpu.memory_space<hbm>> -> memref<32x1024xf32, #tpu.memory_space<hbm>>
    tpu.wait_dma2 semaphore(%arg9 : memref<!tpu.dma_semaphore, #tpu.memory_space<semaphore_mem>>) src(%dma_wait3A_789 : memref<32x1024xf32, #tpu.memory_space<hbm>>) dst(%arg6 : memref<32x1024xf32, #tpu.memory_space<vmem>>)
    %broadcast_in_dim3A_790 = arith.constant 3 : i32
    %broadcast_in_dim3A_791 = vector.broadcast %broadcast_in_dim3A_790 : i32 to vector<16xi32>
    %broadcast_in_dim3A_792 = arith.constant 700 : i32
    %broadcast_in_dim3A_793 = vector.broadcast %broadcast_in_dim3A_792 : i32 to vector<16xi32>
    %iota3A_794 = tpu.iota {dimensions = array<i32: 0>} : vector<16xi32>
    %add3A_795 = arith.constant 0 : i32
    %add3A_796 = vector.broadcast %add3A_795 : i32 to vector<16xi32>
    %add3A_797 = arith.addi %iota3A_794, %add3A_796 : vector<16xi32>
    %gather3A_798 = tpu.vector_load_idx %arg6[%add3A_797, %broadcast_in_dim3A_791] : memref<32x1024xf32, #tpu.memory_space<vmem>>[vector<16xi32>, vector<16xi32>], vector<16xf32>,
    %gather3A_799 = tpu.vector_load_idx %arg6[%add3A_797, %broadcast_in_dim3A_793] : memref<32x1024xf32, #tpu.memory_space<vmem>>[vector<16xi32>, vector<16xi32>], vector<16xf32>,
    %mul3A_800 = arith.mulf %gather3A_798, %get3A_5 : vector<16xf32>
    %mul3A_801 = arith.mulf %gather3A_799, %get3A_9 : vector<16xf32>
    %add3A_802 = arith.addf %mul3A_800, %mul3A_801 : vector<16xf32>
    tpu.vector_store_idx %arg6[%add3A_797, %broadcast_in_dim3A_791], %add3A_802 : memref<32x1024xf32, #tpu.memory_space<vmem>>[vector<16xi32>, vector<16xi32>], vector<16xf32>,
    %mul3A_803 = arith.mulf %gather3A_798, %get3A_9 : vector<16xf32>
    %mul3A_804 = arith.mulf %gather3A_799, %get3A_5 : vector<16xf32>
    %sub3A_805 = arith.subf %mul3A_803, %mul3A_804 : vector<16xf32>
    tpu.vector_store_idx %arg6[%add3A_797, %broadcast_in_dim3A_793], %sub3A_805 : memref<32x1024xf32, #tpu.memory_space<vmem>>[vector<16xi32>, vector<16xi32>], vector<16xf32>,
    %iota3A_806 = tpu.iota {dimensions = array<i32: 0>} : vector<16xi32>
    %add3A_807 = arith.constant 16 : i32
    %add3A_808 = vector.broadcast %add3A_807 : i32 to vector<16xi32>
    %add3A_809 = arith.addi %iota3A_806, %add3A_808 : vector<16xi32>
    %gather3A_810 = tpu.vector_load_idx %arg6[%add3A_809, %broadcast_in_dim3A_791] : memref<32x1024xf32, #tpu.memory_space<vmem>>[vector<16xi32>, vector<16xi32>], vector<16xf32>,
    %gather3A_811 = tpu.vector_load_idx %arg6[%add3A_809, %broadcast_in_dim3A_793] : memref<32x1024xf32, #tpu.memory_space<vmem>>[vector<16xi32>, vector<16xi32>], vector<16xf32>,
    %mul3A_812 = arith.mulf %gather3A_810, %get3A_5 : vector<16xf32>
    %mul3A_813 = arith.mulf %gather3A_811, %get3A_9 : vector<16xf32>
    %add3A_814 = arith.addf %mul3A_812, %mul3A_813 : vector<16xf32>
    tpu.vector_store_idx %arg6[%add3A_809, %broadcast_in_dim3A_791], %add3A_814 : memref<32x1024xf32, #tpu.memory_space<vmem>>[vector<16xi32>, vector<16xi32>], vector<16xf32>,
    %mul3A_815 = arith.mulf %gather3A_810, %get3A_9 : vector<16xf32>
    %mul3A_816 = arith.mulf %gather3A_811, %get3A_5 : vector<16xf32>
    %sub3A_817 = arith.subf %mul3A_815, %mul3A_816 : vector<16xf32>
    tpu.vector_store_idx %arg6[%add3A_809, %broadcast_in_dim3A_793], %sub3A_817 : memref<32x1024xf32, #tpu.memory_space<vmem>>[vector<16xi32>, vector<16xi32>], vector<16xf32>,
    %add3A_818 = arith.constant 480 : i32
    %add3A_819 = arith.addi %mul3A_2, %add3A_818 : i32
    %dma_start3A_820 = arith.constant 0 : i32
    %dma_start3A_821 = tpu.memref_slice %arg4[%add3A_819, %dma_start3A_820] : memref<16384x1024xf32, #tpu.memory_space<hbm>> -> memref<32x1024xf32, #tpu.memory_space<hbm>>
    %dma_start3A_822 = arith.constant 0 : i32
    %dma_start3A_823 = tpu.memref_slice %arg4[%add3A_819, %dma_start3A_822] : memref<16384x1024xf32, #tpu.memory_space<hbm>> -> memref<32x1024xf32, #tpu.memory_space<hbm>>
    tpu.enqueue_dma source(%arg6 : memref<32x1024xf32, #tpu.memory_space<vmem>>) target(%dma_start3A_823 : memref<32x1024xf32, #tpu.memory_space<hbm>>) target_semaphore(%arg11 : memref<!tpu.dma_semaphore, #tpu.memory_space<semaphore_mem>>)
    %add3A_824 = arith.constant 448 : i32
    %add3A_825 = arith.addi %mul3A_2, %add3A_824 : i32
    %dma_wait3A_826 = arith.constant 0 : i32
    %dma_wait3A_827 = tpu.memref_slice %arg4[%add3A_825, %dma_wait3A_826] : memref<16384x1024xf32, #tpu.memory_space<hbm>> -> memref<32x1024xf32, #tpu.memory_space<hbm>>
    %dma_wait3A_828 = arith.constant 0 : i32
    %dma_wait3A_829 = tpu.memref_slice %arg4[%add3A_825, %dma_wait3A_828] : memref<16384x1024xf32, #tpu.memory_space<hbm>> -> memref<32x1024xf32, #tpu.memory_space<hbm>>
    tpu.wait_dma2 semaphore(%arg10 : memref<!tpu.dma_semaphore, #tpu.memory_space<semaphore_mem>>) src(%arg5 : memref<32x1024xf32, #tpu.memory_space<vmem>>) dst(%dma_wait3A_829 : memref<32x1024xf32, #tpu.memory_space<hbm>>)
    %add3A_830 = arith.constant 480 : i32
    %add3A_831 = arith.addi %mul3A_2, %add3A_830 : i32
    %dma_wait3A_832 = arith.constant 0 : i32
    %dma_wait3A_833 = tpu.memref_slice %arg4[%add3A_831, %dma_wait3A_832] : memref<16384x1024xf32, #tpu.memory_space<hbm>> -> memref<32x1024xf32, #tpu.memory_space<hbm>>
    %dma_wait3A_834 = arith.constant 0 : i32
    %dma_wait3A_835 = tpu.memref_slice %arg4[%add3A_831, %dma_wait3A_834] : memref<16384x1024xf32, #tpu.memory_space<hbm>> -> memref<32x1024xf32, #tpu.memory_space<hbm>>
    tpu.wait_dma2 semaphore(%arg11 : memref<!tpu.dma_semaphore, #tpu.memory_space<semaphore_mem>>) src(%arg6 : memref<32x1024xf32, #tpu.memory_space<vmem>>) dst(%dma_wait3A_835 : memref<32x1024xf32, #tpu.memory_space<hbm>>)
    return
  }
}

module attributes {stable_mosaic.version = 14 : i64} {
  func.func @_cs_body(%arg0: memref<1xf32, #tpu.memory_space<smem>>, %arg1: memref<8x128xf32, #tpu.memory_space<vmem>>) attributes {dimension_semantics = [], scalar_prefetch = 0 : i64, scratch_operands = 0 : i64, tpu.core_type = #tpu.core_type<tc>} {
    %get3A = arith.constant 0 : index
    %get3A_0 = memref.load %arg0[%get3A] : memref<1xf32, #tpu.memory_space<smem>>
    %mul3A = arith.constant 2.000000e+00 : f32
    %mul3A_1 = arith.mulf %mul3A, %get3A_0 : f32
    %cos3A = math.cos %mul3A_1 : f32
    %mul3A_2 = arith.constant 2.000000e+00 : f32
    %mul3A_3 = arith.mulf %mul3A_2, %get3A_0 : f32
    %sin3A = math.sin %mul3A_3 : f32
    %broadcast_in_dim3A = vector.broadcast %cos3A : f32 to vector<4x128xf32>
    %broadcast_in_dim3A_4 = vector.broadcast %sin3A : f32 to vector<4x128xf32>
    %concatenate3A = tpu.concatenate %broadcast_in_dim3A, %broadcast_in_dim3A_4 in 0 : vector<4x128xf32>, vector<4x128xf32> -> vector<8x128xf32>
    %swap3A = arith.constant 0 : index
    %swap3A_5 = arith.constant 0 : index
    %swap3A_6 = vector.load %arg1[%swap3A, %swap3A_5] : memref<8x128xf32, #tpu.memory_space<vmem>>, vector<8x128xf32>
    tpu.vector_store %arg1[%swap3A, %swap3A_5], %concatenate3A {strides = array<i32>} : memref<8x128xf32, #tpu.memory_space<vmem>>, vector<8x128xf32>,
    return
  }
}

</mosaic_0001>

<sc_bundles>
// kernel: kernel.4.cloned.1.call-start
scs
__scs_entry_jumppad:
0x0: {  	(pc) =	sbr.rel $0x88, $3  }
0x1: {  	(tag) =	ssettag $0x0;
	lr =	simm.s32 $0x1  }
0x2: {  	[smem:$0x3F9F] =	sst lr;
	_ =	strace $0xD0000000  }
0x3: {  	_ = 	snop  }
0x4: {  	_ = 	snop  }
0x5: {  	_ = 	snop  }
0x6: {  	_ = 	snop  }
0x7: {  	_ = 	snop  }
__scs_overlays_trampoline_lowered:
0x8: {  	[smem:$0x3FAE] =	sst s0  }
0x9: {  	[smem:$0x3FAF] =	sst s1  }
0xa: {  	[smem:$0x3FB0] =	sst s2  }
0xb: {  	[smem:$0x3FB1] =	sst s3  }
0xc: {  	[smem:$0x3FB2] =	sst s4  }
0xd: {  	[smem:$0x3FB3] =	sst s5  }
0xe: {  	[smem:$0x3FB4] =	sst s6  }
0xf: {  	[smem:$0x3FB5] =	sst s7  }
0x10: {  	[smem:$0x3FB6] =	sst s8  }
0x11: {  	[smem:$0x3FB7] =	sst s9;
	s0 =	simm.s32 @!p0 $0x0  }
0x12: {  	s1 =	sld [smem:$0x3F9D];
	s0 =	simm.s32 @p0 $0x1  }
0x13: {  	[smem:$0x3FB8] =	sst s0;
	s0 =	simm.s32 @!p1 $0x0  }
0x14: {  	s2 =	sld [smem:$0x3F9C];
	s0 =	simm.s32 @p1 $0x1  }
0x15: {  	[smem:$0x3FB9] =	sst s0;
	s0 =	simm.s32 @!p2 $0x0  }
0x16: {  	s3 =	sld [smem:$0x3FDB];
	s0 =	simm.s32 @p2 $0x1  }
0x17: {  	s4 =	simm.s32 $0x1BF5;
	[smem:$0x3FBB] =	sst s0  }
0x18: {  	s0 =	sld [smem:$0x3F9E];
	_ =	swait.ge [sflag:s4], $0x0  }
0x19: {  	s7 =	sld [smem:$0x3F9F]  }
0x1a: {  	s8 =	sadd.s32 $0xFFFFE003, lr  }
0x1b: {  	s9 =	sadd.s32 $0xFFFFFEF7, lr;
	s5 =	simm.s32 $0xFFFFFFFF;
	p2 =	slt.u32 s8, $0xFFFFF086  }
0x1c: {  	p1 =	slt.u32 s9, $0xF7A;
	s5 =	simm.s32 @!p2 $0x0  }
0x1d: {  	s5 =	simm.s32 @p1 $0x1;
	p0 =	seq.s32 s7, s2  }
0x1e: {  	s7 =	smul.u32 @!p0 $0xF7A, s2;
	p2 =	seq.s32 @!p0 s5, $0x0  }
0x1f: {  	s9 =	smul.u32 $0xF7A, s1;
	s8 =	simm.s32 @!p0 $0x1BF5;
	p2 =	por !p2, p0  }
0x20: {  	[sflag:s8] =	ssyncset.s32 @!p0 $0xFFFFF086;
	s6 =	sadd.s32 @!p0 s3, s7;
	s7 =	simm.s32 @!p0 $0x108  }
0x21: {  	s3 =	sadd.s32 s3, s9;
	s6 =	sadd.s32 @!p0 $0x88, s6;
	s7 =	simm.s32 @p2 $0x1082  }
0x22: {  	[simem:s7], [sflag:s8] =	dma.local @!p0 [hbm:s6], $0xF7A  }
0x23: {  	s9 =	sor.u32 $0xD0000000, s2;
	s6 =	simm.s32 $0x108;
	_ =	swait.ge @!p0 [sflag:s8], $0x0  }
0x24: {  	s3 =	sadd.s32 $0x88, s3;
	s6 =	simm.s32 @!p1 $0x1082;
	[sflag:s4] =	ssyncset.s32 $0xFFFFF086  }
0x25: {  	[simem:s6], [sflag:s4] =	dma.local [hbm:s3], $0xF7A  }
0x26: {  	[smem:$0x3F9F] =	sst s1;
	(tag) =	ssettag s2;
	_ =	strace s9  }
0x27: {  	s1 =	sld [smem:$0x3FAF]  }
0x28: {  	s2 =	sld [smem:$0x3FB0]  }
0x29: {  	s4 =	sld [smem:$0x3FB2]  }
0x2a: {  	p0 =	seq.s32 s5, $0x0;
	s5 =	sld [smem:$0x3FB3]  }
0x2b: {  	s6 =	sld [smem:$0x3FB4]  }
0x2c: {  	s7 =	sld [smem:$0x3FB5]  }
0x2d: {  	s3 =	simm.s32 $0x108;
	s8 =	sld [smem:$0x3FB6]  }
0x2e: {  	s3 =	simm.s32 @!p0 $0x1082;
	s9 =	sld [smem:$0x3FB7]  }
0x2f: {  	lr =	sadd.s32 s0, s3;
	s0 =	sld [smem:$0x3FAE]  }
0x30: {  	s3 =	sld [smem:$0x3FB1]  }
0x31: {  	[smem:$0x3FBA] =	sst s10  }
0x32: {  	s10 =	sld [smem:$0x3FB8];
	_ =	sdelay $0x3  }
0x33: {  	p0 =	seq.s32 s10, $0x1;
	s10 =	sld [smem:$0x3FBA];
	_ =	sdelay $0x3  }
0x34: {  	[smem:$0x3FBA] =	sst s10  }
0x35: {  	s10 =	sld [smem:$0x3FB9];
	_ =	sdelay $0x3  }
0x36: {  	p1 =	seq.s32 s10, $0x1;
	s10 =	sld [smem:$0x3FBA];
	_ =	sdelay $0x3  }
0x37: {  	[smem:$0x3FBA] =	sst s10  }
0x38: {  	s10 =	sld [smem:$0x3FBB]  }
0x39: {  	_ = 	snop;
	(pc) =	sbr.ind lr, $3  }
0x3a: {  	_ = 	snop  }
0x3b: {  	_ = 	snop  }
0x3c: {  	p2 =	seq.s32 s10, $0x1;
	s10 =	sld [smem:$0x3FBA]  }
0x3d: {  	_ =	shalt  }
0x3e: {  	_ =	shalt  }
0x3f: {  	_ =	shalt  }
0x40: {  	_ =	shalt  }
0x41: {  	_ =	shalt  }
0x42: {  	_ =	shalt  }
0x43: {  	_ =	shalt  }
0x44: {  	_ =	shalt  }
0x45: {  	_ =	shalt  }
0x46: {  	_ =	shalt  }
0x47: {  	_ =	shalt  }
0x48: {  	_ =	shalt  }
0x49: {  	_ =	shalt  }
0x4a: {  	_ =	shalt  }
0x4b: {  	_ =	shalt  }
0x4c: {  	_ =	shalt  }
0x4d: {  	_ =	shalt  }
0x4e: {  	_ =	shalt  }
0x4f: {  	_ =	shalt  }
0x50: {  	_ =	shalt  }
0x51: {  	_ =	shalt  }
0x52: {  	_ =	shalt  }
0x53: {  	_ =	shalt  }
0x54: {  	_ =	shalt  }
0x55: {  	_ =	shalt  }
0x56: {  	_ =	shalt  }
0x57: {  	_ =	shalt  }
0x58: {  	_ =	shalt  }
0x59: {  	_ =	shalt  }
0x5a: {  	_ =	shalt  }
0x5b: {  	_ =	shalt  }
0x5c: {  	_ =	shalt  }
0x5d: {  	_ =	shalt  }
0x5e: {  	_ =	shalt  }
0x5f: {  	_ =	shalt  }
0x60: {  	_ =	shalt  }
0x61: {  	_ =	shalt  }
0x62: {  	_ =	shalt  }
0x63: {  	_ =	shalt  }
0x64: {  	_ =	shalt  }
0x65: {  	_ =	shalt  }
0x66: {  	_ =	shalt  }
0x67: {  	_ =	shalt  }
0x68: {  	_ =	shalt  }
0x69: {  	_ =	shalt  }
0x6a: {  	_ =	shalt  }
0x6b: {  	_ =	shalt  }
0x6c: {  	_ =	shalt  }
0x6d: {  	_ =	shalt  }
0x6e: {  	_ =	shalt  }
0x6f: {  	_ =	shalt  }
0x70: {  	_ =	shalt  }
0x71: {  	_ =	shalt  }
0x72: {  	_ =	shalt  }
0x73: {  	_ =	shalt  }
0x74: {  	_ =	shalt  }
0x75: {  	_ =	shalt  }
0x76: {  	_ =	shalt  }
0x77: {  	_ =	shalt  }
0x78: {  	_ =	shalt  }
0x79: {  	_ =	shalt  }
0x7a: {  	_ =	shalt  }
0x7b: {  	_ =	shalt  }
0x7c: {  	_ =	shalt  }
0x7d: {  	_ =	shalt  }
0x7e: {  	_ =	shalt  }
0x7f: {  	_ =	shalt  }
0x80: {  	_ =	shalt  }
0x81: {  	_ =	shalt  }
0x82: {  	_ =	shalt  }
0x83: {  	_ =	shalt  }
0x84: {  	_ =	shalt  }
0x85: {  	_ =	shalt  }
0x86: {  	_ =	shalt  }
0x87: {  	_ =	shalt  }
.Lfunc_end0:
.L_simem_size_0:
called_computation_lowered:
.L_overlay_start_0:
0x88: {  	s2 =	sld [smem:$0x3FD9]  }
0x89: {  	s3 =	sld [smem:$0x3FFE];
	_ =	sdelay $0x1  }
0x8a: {  	s1 =	srdreg.scid  }
0x8b: {  	s0 =	sand.u32 $0x1, s1  }
0x8c: {  	s17 =	sshll.u32 s0, $0xA;
	s2 =	sadd.s32 s3, s2  }
0x8d: {  	s2 =	sadd.s32 s2, s17  }
0x8e: {  	[smem:$0x3FC6] =	sst s2  }
0x8f: {  	_ = 	snop  }
0x90: {  	s2 =	sld [smem:$0x3FC9]  }
0x91: {  	s18 =	sld [smem:$0x3FD0];
	(tm) =	ssettm $0x1  }
0x92: {  	s4 =	sld [smem:$0x3FFB];
	_ =	sdelay $0x3  }
0x93: {  	_ =	strace s4  }
0x94: {  	s4 =	sld [smem:$0x3FFC];
	_ =	sdelay $0x3  }
0x95: {  	_ =	strace s4  }
0x96: {  	s4 =	sld [smem:$0x3FFD];
	_ =	sdelay $0x3  }
0x97: {  	_ =	strace s4  }
0x98: {  	_ =	strace $0x8FFFFFFF  }
0x99: {  	s19 =	sld [smem:$0x3FDB];
	_ =	sdelay $0x1  }
0x9a: {  	s5 =	simm.s32 $_scs_section_size  }
0x9b: {  	s6 =	simm.s32 $_size__tile_overlayer_lowered;
	s7 =	simm.s32 $_tile_overlayer_lowered  }
0x9c: {  	s22 =	simm.s32 $0x1BFF;
	s21 =	sshll.u32 s7, $0x1;
	s4 =	sadd.s32 s5, s19  }
0x9d: {  	s8 =	simm.s32 $0x0;
	s20 =	sshll.u32 s6, $0x1;
	s6 =	sadd.s32 s21, s4  }
0x9e: {  	[timem:s8], [sflag:s22] =	dma.local [hbm:s6], s20  }
0x9f: {  	_ =	swait.ge [sflag:s22], s20  }
0xa0: {  	s5 =	ssub.s32 $0x0, s20;
	[sflag:s22] =	ssyncset.done $0x0  }
0xa1: {  	[sflag:s22] =	ssyncadd.s32 s5;
	_ =	sdelay $0x1  }
0xa2: {  	s23 =	simm.s32 $0x1B8B  }
0xa3: {  	_ =	swait.ge [sflag:s23], $0x1  }
0xa4: {  	[sflag:s23] =	ssyncset.done $0x0  }
0xa5: {  	s25 =	simm.s32 $0x1B8E;
	s24 =	sld [smem:$0x3FFE];
	[sflag:s23] =	ssyncadd.s32 $0xFFFFFFFF  }
0xa6: {  	s26 =	simm.s32 $execute0_lowered;
	[smem:$0x3FD2] =	sst s25  }
0xa7: {  	s6 =	sshll.u32 s26, $0x1;
	_ =	strace $0x80000046;
	[dreg:$0x1] =	wrdreg $0xFFFFFFFF  }
0xa8: {  	s28 =	simm.s32 $_size_execute0_lowered;
	s4 =	sadd.s32 s4, s6;
	[dreg:$0x0] =	wrdreg $0x0  }
0xa9: {  	s6 =	sshll.u32 s28, $0x1;
	[dreg:$0x2] =	wrdreg s4  }
0xaa: {  	[dreg:$0x3] =	wrdreg s6  }
0xab: {  	[dreg:$0x4] =	wrdreg $0xC0  }
0xac: {  	_ =	task [dreg:s8], $0x5FFFF  }
0xad: {  	[dreg:$0x1] =	wrdreg $0xFFFFFFFF  }
0xae: {  	[dreg:$0x0] =	wrdreg $0x60  }
0xaf: {  	[dreg:$0x2] =	wrdreg s2  }
0xb0: {  	[dreg:$0x3] =	wrdreg s24  }
0xb1: {  	[dreg:$0x4] =	wrdreg s18  }
0xb2: {  	[dreg:$0x5] =	wrdreg $0x9  }
0xb3: {  	_ =	task.clear_ibuf [dreg:s8], $0x6FFFF;
	_ =	strace $0x90000046  }
0xb4: {  	s29 =	simm.s32 $0x9;
	_ =	strace $0x80000048  }
0xb5: {  	_ =	swait.ge [sflag:s29], $0x1  }
0xb6: {  	[sflag:s29] =	ssyncadd.s32 $0xFFFFFFFF  }
0xb7: {  	_ =	strace $0x90000048  }
0xb8: {  	_ =	sfence  }
0xb9: {  	s30 =	sld [smem:$0x0];
	_ =	sdelay $0x2  }
0xba: {  	s31 =	sshll.u32 s1, $0xD;
	s1 =	sshrl.u32 s1, $0x2  }
0xbb: {  	s3 =	sand.u32 $0x4000, s31;
	s1 =	sadd.s32 s1, s30  }
0xbc: {  	s0 =	sor.u32 s3, s0;
	s1 =	sshll.u32 s1, $0x11  }
0xbd: {  	s0 =	sor.u32 s1, s0  }
0xbe: {  	s0 =	sadd.s32 $0x8F2B, s0  }
0xbf: {  	[sflag:s0] =	ssyncadd.remote.s32 $0x1  }
0xc0: {  	_ =	sfence.sel $0xFFFF  }
0xc1: {  	[dreg:$0x0] =	wrdreg $0xFFFFFFFF;
	(pc) =	sbr.abs _section_cstart, $3  }
0xc2: {  	[dreg:$0x1] =	wrdreg $0xFFFFFFFF  }
0xc3: {  	_ =	task.clear_ibuf [dreg:s8], $0x2FFFF;
	_ =	strace $0x9FFFFFFF  }
0xc4: {  	(tm) =	ssettm $0x7FFFFFFF  }
0xc5: {  	_ =	shalt  }
tec
execute0_lowered:
.L_overlay_start_1:
0x0: {  	(tag) =	ssettag $0x1  }
0x1: {  	s0 =	rddreg [dreg:$0x0]  }
0x2: {  	s3 =	rddreg [dreg:$0x1]  }
0x3: {  	v0 =	vimm.s32 $0x2383;
	s23 =	rddreg [dreg:$0x2];
	s4 =	srdreg.scid  }
0x4: {  	vm14 =	vcmask $0x300;
	vm13 =	vcmask $0x704;
	vm12 =	vcmask $0xB08;
	s2 =	simm.s32 $0x0;
	s1 =	stileid.u32;
	s28 =	simm.s32 $0x1  }
0x5: {  	vm11 =	vcmask $0xF0C;
	vm10 =	vcmask $0x1310;
	vm9 =	vcmask $0x1714;
	s29 =	simm.s32 $0x8000;
	s30 =	simm.s32 $0x2;
	s31 =	simm.s32 $0x3  }
0x6: {  	vm8 =	vcmask $0x1B18;
	vm7 =	vcmask $0x1F1C;
	vm6 =	vcmask $0x2320;
	s4 =	sand.u32 $0x1, s4;
	[smem:$0x7FF] =	sst s2;
	s5 =	sshll.u32 s1, $0x11  }
0x7: {  	vm5 =	vcmask $0x2724;
	vm4 =	vcmask $0x2B28;
	vm2 =	vcmask $0x2F2C;
	s3 =	sadd.s32 $0x600, s3;
	s6 =	sshll.u32 s4, $0x10;
	_ =	strace $0x80000047  }
0x8: {  	vm0 =	vcmask $0x3330;
	vm3 =	vcmask $0x3734;
	vm1 =	vcmask $0x3B38;
	[dreg:$0x4] =	wrdreg s3;
	s4 =	ssub.s32 $0x2, s4;
	s20 =	sor.u32 s6, s5  }
0x9: {  	v1 =	vimm.s32 $0x37BC;
	v2 =	vimm.s32 $0x6383;
	v3 =	vimm.s32 $0x77BC;
	s24 =	sshrl.u32 s4, $0x1;
	s8 =	sadd.s32 s0, s20;
	s9 =	sadd.s32 s23, s20  }
0xa: {  	v0 =	vsel vm14, $0x3, v0;
	v1 =	vsel vm14, $0x143C, v1;
	v2 =	vsel vm14, $0x4003, v2;
	s5 =	sor.u32 $0x1000, s20;
	s12 =	sor.u32 $0x2000, s20;
	s15 =	sor.u32 $0x3000, s20  }
0xb: {  	v3 =	vsel vm14, $0x543C, v3;
	v0 =	vsel vm13, $0x83, v0;
	v1 =	vsel vm13, $0x14BC, v1;
	s18 =	sor.u32 $0x4000, s20;
	s22 =	sor.u32 $0x5000, s20;
	s24 =	ssub.s32 s4, s24  }
0xc: {  	v2 =	vsel vm13, $0x4083, v2;
	v3 =	vsel vm13, $0x54BC, v3;
	v0 =	vsel vm12, $0x103, v0;
	s26 =	sor.u32 $0x6000, s20;
	s7 =	sor.u32 $0x7000, s20;
	[dreg:$0x5] =	wrdreg s8  }
0xd: {  	v1 =	vsel vm12, $0x153C, v1;
	v2 =	vsel vm12, $0x4103, v2;
	v3 =	vsel vm12, $0x553C, v3;
	[dreg:$0x6] =	wrdreg s9;
	s10 =	sadd.s32 s0, s5;
	s11 =	sadd.s32 s23, s5  }
0xe: {  	v0 =	vsel vm11, $0x183, v0;
	v1 =	vsel vm11, $0x15BC, v1;
	v2 =	vsel vm11, $0x4183, v2;
	s13 =	sadd.s32 s0, s12;
	s14 =	sadd.s32 s23, s12;
	[dreg:$0x7] =	wrdreg s10  }
0xf: {  	v3 =	vsel vm11, $0x55BC, v3;
	v0 =	vsel vm10, $0x203, v0;
	s16 =	sadd.s32 s0, s15;
	s17 =	sadd.s32 s23, s15;
	v1 =	vsel vm10, $0x163C, v1;
	[dreg:$0x8] =	wrdreg s11  }
0x10: {  	s19 =	sadd.s32 s0, s18;
	s21 =	sadd.s32 s23, s18;
	v2 =	vsel vm10, $0x4203, v2;
	v3 =	vsel vm10, $0x563C, v3;
	v0 =	vsel vm9, $0x283, v0;
	[dreg:$0x9] =	wrdreg s13  }
0x11: {  	s25 =	sadd.s32 s0, s22;
	s3 =	sadd.s32 s23, s22;
	[dreg:$0xa] =	wrdreg s14;
	v1 =	vsel vm9, $0x16BC, v1;
	v2 =	vsel vm9, $0x4283, v2;
	v3 =	vsel vm9, $0x56BC, v3  }
0x12: {  	s4 =	sadd.s32 s0, s26;
	s5 =	sadd.s32 s23, s26;
	[dreg:$0xb] =	wrdreg s16;
	v0 =	vsel vm8, $0x303, v0;
	v1 =	vsel vm8, $0x173C, v1;
	v2 =	vsel vm8, $0x4303, v2  }
0x13: {  	s6 =	sadd.s32 s0, s7;
	s7 =	sadd.s32 s23, s7;
	[dreg:$0xc] =	wrdreg s17;
	v3 =	vsel vm8, $0x573C, v3;
	v0 =	vsel vm7, $0x383, v0;
	v1 =	vsel vm7, $0x17BC, v1  }
0x14: {  	s9 =	sor.u32 $0x8000, s20;
	s15 =	sor.u32 $0xB000, s20;
	[dreg:$0xd] =	wrdreg s19;
	v2 =	vsel vm7, $0x4383, v2;
	v3 =	vsel vm7, $0x57BC, v3;
	v0 =	vsel vm6, $0x2003, v0  }
0x15: {  	s24 =	smax.u32 s24, $0x1;
	s26 =	simm.s32 $0x5;
	[dreg:$0xe] =	wrdreg s21;
	v1 =	vsel vm6, $0x343C, v1;
	v2 =	vsel vm6, $0x6003, v2;
	v3 =	vsel vm6, $0x743C, v3  }
0x16: {  	[dreg:$0xf] =	wrdreg s25;
	s11 =	sor.u32 $0x9000, s20;
	s8 =	sadd.s32 s0, s9;
	v0 =	vsel vm5, $0x2083, v0;
	v1 =	vsel vm5, $0x34BC, v1;
	v2 =	vsel vm5, $0x6083, v2  }
0x17: {  	s9 =	sadd.s32 s23, s9;
	s13 =	sor.u32 $0xA000, s20;
	s14 =	sadd.s32 s0, s15;
	v3 =	vsel vm5, $0x74BC, v3;
	v0 =	vsel vm4, $0x2103, v0;
	v1 =	vsel vm4, $0x353C, v1  }
0x18: {  	s15 =	sadd.s32 s23, s15;
	s17 =	sor.u32 $0xC000, s20;
	s19 =	sor.u32 $0xD000, s20;
	v2 =	vsel vm4, $0x6103, v2;
	v3 =	vsel vm4, $0x753C, v3;
	v0 =	vsel vm2, $0x2183, v0  }
0x19: {  	s21 =	sor.u32 $0xE000, s20;
	s25 =	sor.u32 $0xF000, s20;
	s10 =	sadd.s32 s0, s11;
	v1 =	vsel vm2, $0x35BC, v1;
	v2 =	vsel vm2, $0x6183, v2;
	v3 =	vsel vm2, $0x75BC, v3  }
0x1a: {  	s11 =	sadd.s32 s23, s11;
	s12 =	sadd.s32 s0, s13;
	s13 =	sadd.s32 s23, s13;
	v0 =	vsel vm0, $0x2203, v0;
	v1 =	vsel vm0, $0x363C, v1;
	v2 =	vsel vm0, $0x6203, v2  }
0x1b: {  	s16 =	sadd.s32 s0, s17;
	s17 =	sadd.s32 s23, s17;
	s18 =	sadd.s32 s0, s19;
	v3 =	vsel vm0, $0x763C, v3;
	v0 =	vsel vm3, $0x2283, v0;
	v1 =	vsel vm3, $0x36BC, v1  }
0x1c: {  	s19 =	sadd.s32 s23, s19;
	s20 =	sadd.s32 s0, s21;
	s21 =	sadd.s32 s23, s21;
	v2 =	vsel vm3, $0x6283, v2;
	v3 =	vsel vm3, $0x76BC, v3;
	v0 =	vsel vm1, $0x2303, v0  }
0x1d: {  	s22 =	sadd.s32 s0, s25;
	s23 =	sadd.s32 s23, s25;
	s0 =	simm.s32 $0x4;
	v1 =	vsel vm1, $0x373C, v1;
	v2 =	vsel vm1, $0x6303, v2;
	v3 =	vsel vm1, $0x773C, v3  }
.LBB2_1:
0x1e: {  	s1 =	rddreg [dreg:$0x4];
	s25 =	simm.s32 $0x10000  }
0x1f: {  	[tilespmem:s25], [sflag:$0x5] =	stream.linear.gather [hbm4b:s1+s2], $0x400, $0x38;
	[tilespmem:$0x10400] =	vst v63  }
0x20: {  	_ =	swait.ge [sflag:s26], $0x400  }
0x21: {  	[sflag:s26] =	ssyncset.done $0x0  }
0x22: {  	[sflag:s26] =	ssyncadd.s32 $0xFFFFFC00  }
0x23: {  	s25 =	rddreg [dreg:$0x5];
	v4 =	vld [tilespmem:$0x10000]  }
0x24: {  	v5 =	vld [tilespmem:$0x10200];
	[tilespmem:s2], [sflag:$0x1] =	stream.linear.gather [hbm4b:s25+s2], $0x8000, $0x38  }
0x25: {  	_ =	swait.ge [sflag:s28], $0x8000  }
0x26: {  	[sflag:s28] =	ssyncset.done $0x0  }
0x27: {  	[sflag:s28] =	ssyncadd.s32 $0xFFFF8000  }
0x28: {  	v6 =	vld.idx.msk [tilespmem:v0+s2+$0x0], $0xffff  }
0x29: {  	v7 =	vld.idx.msk [tilespmem:v1+s2+$0x0], $0xffff;
	_ =	sdelay $0x4  }
0x2a: {  	v8 =	vmul.f32 v6, v4;
	v9 =	vmul.f32 v7, v5  }
0x2b: {  	v6 =	vmul.f32 v6, v5;
	v7 =	vmul.f32 v7, v4  }
0x2c: {  	v8 =	vadd.f32 v9, v8  }
0x2d: {  	v6 =	vsub.f32 v6, v7  }
0x2e: {  	[tilespmem:v0+s2+$0x0] =	vst.idx.msk $0xffff, v8  }
0x2f: {  	[tilespmem:v1+s2+$0x0] =	vst.idx.msk $0xffff, v6  }
0x30: {  	v6 =	vld.idx.msk [tilespmem:v2+s2+$0x0], $0xffff  }
0x31: {  	v59 =	vld.idx.msk [tilespmem:v3+s2+$0x0], $0xffff;
	_ =	sdelay $0x4  }
0x32: {  	v60 =	vmul.f32 v6, v4;
	v61 =	vmul.f32 v59, v5  }
0x33: {  	v6 =	vmul.f32 v6, v5;
	v7 =	vmul.f32 v59, v4  }
0x34: {  	v8 =	vadd.f32 v61, v60  }
0x35: {  	v6 =	vsub.f32 v6, v7  }
0x36: {  	[tilespmem:v2+s2+$0x0] =	vst.idx.msk $0xffff, v8  }
0x37: {  	s1 =	rddreg [dreg:$0x6];
	[tilespmem:v3+s2+$0x0] =	vst.idx.msk $0xffff, v6  }
0x38: {  	[hbm4b:s1+s2] =	stream.linear.scatter [tilespmem:s2], [sflag:$0x3], $0x8000, $0x38;
	[tilespmem:$0x10400] =	vst v63  }
0x39: {  	s25 =	rddreg [dreg:$0x7]  }
0x3a: {  	[tilespmem:s29], [sflag:$0x2] =	stream.linear.gather [hbm4b:s25+s2], $0x8000, $0x38;
	[tilespmem:$0x10400] =	vst v63  }
0x3b: {  	_ =	swait.ge [sflag:s30], $0x8000  }
0x3c: {  	[sflag:s30] =	ssyncset.done $0x0  }
0x3d: {  	[sflag:s30] =	ssyncadd.s32 $0xFFFF8000  }
0x3e: {  	v62 =	vld.idx.msk [tilespmem:v0+s29+$0x0], $0xffff  }
0x3f: {  	v63 =	vld.idx.msk [tilespmem:v1+s29+$0x0], $0xffff;
	_ =	sdelay $0x4  }
0x40: {  	v12 =	vmul.f32 v62, v4;
	v13 =	vmul.f32 v63, v5  }
0x41: {  	v6 =	vmul.f32 v62, v5;
	v7 =	vmul.f32 v63, v4  }
0x42: {  	v8 =	vadd.f32 v13, v12  }
0x43: {  	v6 =	vsub.f32 v6, v7  }
0x44: {  	[tilespmem:v0+s29+$0x0] =	vst.idx.msk $0xffff, v8  }
0x45: {  	[tilespmem:v1+s29+$0x0] =	vst.idx.msk $0xffff, v6  }
0x46: {  	v6 =	vld.idx.msk [tilespmem:v2+s29+$0x0], $0xffff  }
0x47: {  	v14 =	vld.idx.msk [tilespmem:v3+s29+$0x0], $0xffff;
	_ =	sdelay $0x4  }
0x48: {  	v15 =	vmul.f32 v6, v4;
	v16 =	vmul.f32 v14, v5  }
0x49: {  	v6 =	vmul.f32 v6, v5;
	v7 =	vmul.f32 v14, v4  }
0x4a: {  	v8 =	vadd.f32 v16, v15  }
0x4b: {  	v6 =	vsub.f32 v6, v7  }
0x4c: {  	[tilespmem:v2+s29+$0x0] =	vst.idx.msk $0xffff, v8  }
0x4d: {  	s25 =	rddreg [dreg:$0x8];
	[tilespmem:v3+s29+$0x0] =	vst.idx.msk $0xffff, v6  }
0x4e: {  	[hbm4b:s25+s2] =	stream.linear.scatter [tilespmem:s29], [sflag:$0x4], $0x8000, $0x38;
	[tilespmem:$0x10400] =	vst v63  }
0x4f: {  	_ =	swait.ge [sflag:s31], $0x8000  }
0x50: {  	[sflag:s31] =	ssyncset.done $0x0  }
0x51: {  	s25 =	rddreg [dreg:$0x9];
	[sflag:s31] =	ssyncadd.s32 $0xFFFF8000  }
0x52: {  	[tilespmem:s2], [sflag:$0x1] =	stream.linear.gather [hbm4b:s25+s2], $0x8000, $0x38;
	[tilespmem:$0x10400] =	vst v63  }
0x53: {  	_ =	swait.ge [sflag:s28], $0x8000  }
0x54: {  	[sflag:s28] =	ssyncset.done $0x0  }
0x55: {  	[sflag:s28] =	ssyncadd.s32 $0xFFFF8000  }
0x56: {  	v17 =	vld.idx.msk [tilespmem:v0+s2+$0x0], $0xffff  }
0x57: {  	v18 =	vld.idx.msk [tilespmem:v1+s2+$0x0], $0xffff;
	_ =	sdelay $0x4  }
0x58: {  	v19 =	vmul.f32 v17, v4;
	v20 =	vmul.f32 v18, v5  }
0x59: {  	v6 =	vmul.f32 v17, v5;
	v7 =	vmul.f32 v18, v4  }
0x5a: {  	v8 =	vadd.f32 v20, v19  }
0x5b: {  	v6 =	vsub.f32 v6, v7  }
0x5c: {  	[tilespmem:v0+s2+$0x0] =	vst.idx.msk $0xffff, v8  }
0x5d: {  	[tilespmem:v1+s2+$0x0] =	vst.idx.msk $0xffff, v6  }
0x5e: {  	v6 =	vld.idx.msk [tilespmem:v2+s2+$0x0], $0xffff  }
0x5f: {  	v21 =	vld.idx.msk [tilespmem:v3+s2+$0x0], $0xffff;
	_ =	sdelay $0x4  }
0x60: {  	v22 =	vmul.f32 v6, v4;
	v23 =	vmul.f32 v21, v5  }
0x61: {  	v6 =	vmul.f32 v6, v5;
	v7 =	vmul.f32 v21, v4  }
0x62: {  	v8 =	vadd.f32 v23, v22  }
0x63: {  	v6 =	vsub.f32 v6, v7  }
0x64: {  	[tilespmem:v2+s2+$0x0] =	vst.idx.msk $0xffff, v8  }
0x65: {  	s25 =	rddreg [dreg:$0xa];
	[tilespmem:v3+s2+$0x0] =	vst.idx.msk $0xffff, v6  }
0x66: {  	[hbm4b:s25+s2] =	stream.linear.scatter [tilespmem:s2], [sflag:$0x3], $0x8000, $0x38;
	[tilespmem:$0x10400] =	vst v63  }
0x67: {  	_ =	swait.ge [sflag:s0], $0x8000  }
0x68: {  	[sflag:s0] =	ssyncset.done $0x0  }
0x69: {  	s25 =	rddreg [dreg:$0xb];
	[sflag:s0] =	ssyncadd.s32 $0xFFFF8000  }
0x6a: {  	[tilespmem:s29], [sflag:$0x2] =	stream.linear.gather [hbm4b:s25+s2], $0x8000, $0x38;
	[tilespmem:$0x10400] =	vst v63  }
0x6b: {  	_ =	swait.ge [sflag:s30], $0x8000  }
0x6c: {  	[sflag:s30] =	ssyncset.done $0x0  }
0x6d: {  	[sflag:s30] =	ssyncadd.s32 $0xFFFF8000  }
0x6e: {  	v24 =	vld.idx.msk [tilespmem:v0+s29+$0x0], $0xffff  }
0x6f: {  	v25 =	vld.idx.msk [tilespmem:v1+s29+$0x0], $0xffff;
	_ =	sdelay $0x4  }
0x70: {  	v26 =	vmul.f32 v24, v4;
	v27 =	vmul.f32 v25, v5  }
0x71: {  	v6 =	vmul.f32 v24, v5;
	v7 =	vmul.f32 v25, v4  }
0x72: {  	v8 =	vadd.f32 v27, v26  }
0x73: {  	v6 =	vsub.f32 v6, v7  }
0x74: {  	[tilespmem:v0+s29+$0x0] =	vst.idx.msk $0xffff, v8  }
0x75: {  	[tilespmem:v1+s29+$0x0] =	vst.idx.msk $0xffff, v6  }
0x76: {  	v6 =	vld.idx.msk [tilespmem:v2+s29+$0x0], $0xffff  }
0x77: {  	v28 =	vld.idx.msk [tilespmem:v3+s29+$0x0], $0xffff;
	_ =	sdelay $0x4  }
0x78: {  	v29 =	vmul.f32 v6, v4;
	v30 =	vmul.f32 v28, v5  }
0x79: {  	v6 =	vmul.f32 v6, v5;
	v7 =	vmul.f32 v28, v4  }
0x7a: {  	v8 =	vadd.f32 v30, v29  }
0x7b: {  	v6 =	vsub.f32 v6, v7  }
0x7c: {  	[tilespmem:v2+s29+$0x0] =	vst.idx.msk $0xffff, v8  }
0x7d: {  	s25 =	rddreg [dreg:$0xc];
	[tilespmem:v3+s29+$0x0] =	vst.idx.msk $0xffff, v6  }
0x7e: {  	[hbm4b:s25+s2] =	stream.linear.scatter [tilespmem:s29], [sflag:$0x4], $0x8000, $0x38;
	[tilespmem:$0x10400] =	vst v63  }
0x7f: {  	_ =	swait.ge [sflag:s31], $0x8000  }
0x80: {  	[sflag:s31] =	ssyncset.done $0x0  }
0x81: {  	s25 =	rddreg [dreg:$0xd];
	[sflag:s31] =	ssyncadd.s32 $0xFFFF8000  }
0x82: {  	[tilespmem:s2], [sflag:$0x1] =	stream.linear.gather [hbm4b:s25+s2], $0x8000, $0x38;
	[tilespmem:$0x10400] =	vst v63  }
0x83: {  	_ =	swait.ge [sflag:s28], $0x8000  }
0x84: {  	[sflag:s28] =	ssyncset.done $0x0  }
0x85: {  	[sflag:s28] =	ssyncadd.s32 $0xFFFF8000  }
0x86: {  	v31 =	vld.idx.msk [tilespmem:v0+s2+$0x0], $0xffff  }
0x87: {  	v32 =	vld.idx.msk [tilespmem:v1+s2+$0x0], $0xffff;
	_ =	sdelay $0x4  }
0x88: {  	v33 =	vmul.f32 v31, v4;
	v34 =	vmul.f32 v32, v5  }
0x89: {  	v6 =	vmul.f32 v31, v5;
	v7 =	vmul.f32 v32, v4  }
0x8a: {  	v8 =	vadd.f32 v34, v33  }
0x8b: {  	v6 =	vsub.f32 v6, v7  }
0x8c: {  	[tilespmem:v0+s2+$0x0] =	vst.idx.msk $0xffff, v8  }
0x8d: {  	[tilespmem:v1+s2+$0x0] =	vst.idx.msk $0xffff, v6  }
0x8e: {  	v6 =	vld.idx.msk [tilespmem:v2+s2+$0x0], $0xffff  }
0x8f: {  	v35 =	vld.idx.msk [tilespmem:v3+s2+$0x0], $0xffff;
	_ =	sdelay $0x4  }
0x90: {  	v36 =	vmul.f32 v6, v4;
	v37 =	vmul.f32 v35, v5  }
0x91: {  	v6 =	vmul.f32 v6, v5;
	v7 =	vmul.f32 v35, v4  }
0x92: {  	v8 =	vadd.f32 v37, v36  }
0x93: {  	v6 =	vsub.f32 v6, v7  }
0x94: {  	[tilespmem:v2+s2+$0x0] =	vst.idx.msk $0xffff, v8  }
0x95: {  	s25 =	rddreg [dreg:$0xe];
	[tilespmem:v3+s2+$0x0] =	vst.idx.msk $0xffff, v6  }
0x96: {  	[hbm4b:s25+s2] =	stream.linear.scatter [tilespmem:s2], [sflag:$0x3], $0x8000, $0x38;
	[tilespmem:$0x10400] =	vst v63  }
0x97: {  	_ =	swait.ge [sflag:s0], $0x8000  }
0x98: {  	[sflag:s0] =	ssyncset.done $0x0  }
0x99: {  	s25 =	rddreg [dreg:$0xf];
	[sflag:s0] =	ssyncadd.s32 $0xFFFF8000  }
0x9a: {  	[tilespmem:s29], [sflag:$0x2] =	stream.linear.gather [hbm4b:s25+s2], $0x8000, $0x38;
	[tilespmem:$0x10400] =	vst v63  }
0x9b: {  	_ =	swait.ge [sflag:s30], $0x8000  }
0x9c: {  	[sflag:s30] =	ssyncset.done $0x0  }
0x9d: {  	[sflag:s30] =	ssyncadd.s32 $0xFFFF8000  }
0x9e: {  	v38 =	vld.idx.msk [tilespmem:v0+s29+$0x0], $0xffff  }
0x9f: {  	v39 =	vld.idx.msk [tilespmem:v1+s29+$0x0], $0xffff;
	_ =	sdelay $0x4  }
0xa0: {  	v40 =	vmul.f32 v38, v4;
	v41 =	vmul.f32 v39, v5  }
0xa1: {  	v6 =	vmul.f32 v38, v5;
	v7 =	vmul.f32 v39, v4  }
0xa2: {  	v8 =	vadd.f32 v41, v40  }
0xa3: {  	v6 =	vsub.f32 v6, v7  }
0xa4: {  	[tilespmem:v0+s29+$0x0] =	vst.idx.msk $0xffff, v8  }
0xa5: {  	[tilespmem:v1+s29+$0x0] =	vst.idx.msk $0xffff, v6  }
0xa6: {  	v6 =	vld.idx.msk [tilespmem:v2+s29+$0x0], $0xffff  }
0xa7: {  	v42 =	vld.idx.msk [tilespmem:v3+s29+$0x0], $0xffff;
	_ =	sdelay $0x4  }
0xa8: {  	v43 =	vmul.f32 v6, v4;
	v44 =	vmul.f32 v42, v5  }
0xa9: {  	v6 =	vmul.f32 v6, v5;
	v7 =	vmul.f32 v42, v4  }
0xaa: {  	v8 =	vadd.f32 v44, v43  }
0xab: {  	v6 =	vsub.f32 v6, v7  }
0xac: {  	[tilespmem:v2+s29+$0x0] =	vst.idx.msk $0xffff, v8  }
0xad: {  	[tilespmem:v3+s29+$0x0] =	vst.idx.msk $0xffff, v6  }
0xae: {  	[hbm4b:s3+s2] =	stream.linear.scatter [tilespmem:s29], [sflag:$0x4], $0x8000, $0x38;
	[tilespmem:$0x10400] =	vst v63  }
0xaf: {  	_ =	swait.ge [sflag:s31], $0x8000  }
0xb0: {  	[sflag:s31] =	ssyncset.done $0x0  }
0xb1: {  	[sflag:s31] =	ssyncadd.s32 $0xFFFF8000  }
0xb2: {  	[tilespmem:s2], [sflag:$0x1] =	stream.linear.gather [hbm4b:s4+s2], $0x8000, $0x38;
	[tilespmem:$0x10400] =	vst v63  }
0xb3: {  	_ =	swait.ge [sflag:s28], $0x8000  }
0xb4: {  	[sflag:s28] =	ssyncset.done $0x0  }
0xb5: {  	[sflag:s28] =	ssyncadd.s32 $0xFFFF8000  }
0xb6: {  	v45 =	vld.idx.msk [tilespmem:v0+s2+$0x0], $0xffff  }
0xb7: {  	v46 =	vld.idx.msk [tilespmem:v1+s2+$0x0], $0xffff;
	_ =	sdelay $0x4  }
0xb8: {  	v47 =	vmul.f32 v45, v4;
	v48 =	vmul.f32 v46, v5  }
0xb9: {  	v6 =	vmul.f32 v45, v5;
	v7 =	vmul.f32 v46, v4  }
0xba: {  	v8 =	vadd.f32 v48, v47  }
0xbb: {  	v6 =	vsub.f32 v6, v7  }
0xbc: {  	[tilespmem:v0+s2+$0x0] =	vst.idx.msk $0xffff, v8  }
0xbd: {  	[tilespmem:v1+s2+$0x0] =	vst.idx.msk $0xffff, v6  }
0xbe: {  	v6 =	vld.idx.msk [tilespmem:v2+s2+$0x0], $0xffff  }
0xbf: {  	v49 =	vld.idx.msk [tilespmem:v3+s2+$0x0], $0xffff;
	_ =	sdelay $0x4  }
0xc0: {  	v50 =	vmul.f32 v6, v4;
	v51 =	vmul.f32 v49, v5  }
0xc1: {  	v6 =	vmul.f32 v6, v5;
	v7 =	vmul.f32 v49, v4  }
0xc2: {  	v8 =	vadd.f32 v51, v50  }
0xc3: {  	v6 =	vsub.f32 v6, v7  }
0xc4: {  	[tilespmem:v2+s2+$0x0] =	vst.idx.msk $0xffff, v8  }
0xc5: {  	[tilespmem:v3+s2+$0x0] =	vst.idx.msk $0xffff, v6  }
0xc6: {  	[hbm4b:s5+s2] =	stream.linear.scatter [tilespmem:s2], [sflag:$0x3], $0x8000, $0x38;
	[tilespmem:$0x10400] =	vst v63  }
0xc7: {  	_ =	swait.ge [sflag:s0], $0x8000  }
0xc8: {  	[sflag:s0] =	ssyncset.done $0x0  }
0xc9: {  	[sflag:s0] =	ssyncadd.s32 $0xFFFF8000  }
0xca: {  	[tilespmem:s29], [sflag:$0x2] =	stream.linear.gather [hbm4b:s6+s2], $0x8000, $0x38;
	[tilespmem:$0x10400] =	vst v63  }
0xcb: {  	_ =	swait.ge [sflag:s30], $0x8000  }
0xcc: {  	[sflag:s30] =	ssyncset.done $0x0  }
0xcd: {  	[sflag:s30] =	ssyncadd.s32 $0xFFFF8000  }
0xce: {  	v52 =	vld.idx.msk [tilespmem:v0+s29+$0x0], $0xffff  }
0xcf: {  	v53 =	vld.idx.msk [tilespmem:v1+s29+$0x0], $0xffff;
	_ =	sdelay $0x4  }
0xd0: {  	v54 =	vmul.f32 v52, v4;
	v55 =	vmul.f32 v53, v5  }
0xd1: {  	v6 =	vmul.f32 v52, v5;
	v7 =	vmul.f32 v53, v4  }
0xd2: {  	v8 =	vadd.f32 v55, v54  }
0xd3: {  	v6 =	vsub.f32 v6, v7  }
0xd4: {  	[tilespmem:v0+s29+$0x0] =	vst.idx.msk $0xffff, v8  }
0xd5: {  	[tilespmem:v1+s29+$0x0] =	vst.idx.msk $0xffff, v6  }
0xd6: {  	v6 =	vld.idx.msk [tilespmem:v2+s29+$0x0], $0xffff  }
0xd7: {  	v56 =	vld.idx.msk [tilespmem:v3+s29+$0x0], $0xffff;
	_ =	sdelay $0x4  }
0xd8: {  	v57 =	vmul.f32 v6, v4;
	v58 =	vmul.f32 v56, v5  }
0xd9: {  	v6 =	vmul.f32 v6, v5;
	v7 =	vmul.f32 v56, v4  }
0xda: {  	v8 =	vadd.f32 v58, v57  }
0xdb: {  	v6 =	vsub.f32 v6, v7  }
0xdc: {  	[tilespmem:v2+s29+$0x0] =	vst.idx.msk $0xffff, v8  }
0xdd: {  	[tilespmem:v3+s29+$0x0] =	vst.idx.msk $0xffff, v6  }
0xde: {  	[hbm4b:s7+s2] =	stream.linear.scatter [tilespmem:s29], [sflag:$0x4], $0x8000, $0x38;
	[tilespmem:$0x10400] =	vst v63  }
0xdf: {  	_ =	swait.ge [sflag:s31], $0x8000  }
0xe0: {  	[sflag:s31] =	ssyncset.done $0x0  }
0xe1: {  	[sflag:s31] =	ssyncadd.s32 $0xFFFF8000  }
0xe2: {  	[tilespmem:s2], [sflag:$0x1] =	stream.linear.gather [hbm4b:s8+s2], $0x8000, $0x38;
	[tilespmem:$0x10400] =	vst v63  }
0xe3: {  	_ =	swait.ge [sflag:s28], $0x8000  }
0xe4: {  	[sflag:s28] =	ssyncset.done $0x0  }
0xe5: {  	[sflag:s28] =	ssyncadd.s32 $0xFFFF8000  }
0xe6: {  	v59 =	vld.idx.msk [tilespmem:v0+s2+$0x0], $0xffff  }
0xe7: {  	v60 =	vld.idx.msk [tilespmem:v1+s2+$0x0], $0xffff;
	_ =	sdelay $0x4  }
0xe8: {  	v61 =	vmul.f32 v59, v4;
	v62 =	vmul.f32 v60, v5  }
0xe9: {  	v6 =	vmul.f32 v59, v5;
	v7 =	vmul.f32 v60, v4  }
0xea: {  	v8 =	vadd.f32 v62, v61  }
0xeb: {  	v6 =	vsub.f32 v6, v7  }
0xec: {  	[tilespmem:v0+s2+$0x0] =	vst.idx.msk $0xffff, v8  }
0xed: {  	[tilespmem:v1+s2+$0x0] =	vst.idx.msk $0xffff, v6  }
0xee: {  	v6 =	vld.idx.msk [tilespmem:v2+s2+$0x0], $0xffff  }
0xef: {  	v63 =	vld.idx.msk [tilespmem:v3+s2+$0x0], $0xffff;
	_ =	sdelay $0x4  }
0xf0: {  	v12 =	vmul.f32 v6, v4;
	v13 =	vmul.f32 v63, v5  }
0xf1: {  	v6 =	vmul.f32 v6, v5;
	v7 =	vmul.f32 v63, v4  }
0xf2: {  	v8 =	vadd.f32 v13, v12  }
0xf3: {  	v6 =	vsub.f32 v6, v7  }
0xf4: {  	[tilespmem:v2+s2+$0x0] =	vst.idx.msk $0xffff, v8  }
0xf5: {  	[tilespmem:v3+s2+$0x0] =	vst.idx.msk $0xffff, v6  }
0xf6: {  	[hbm4b:s9+s2] =	stream.linear.scatter [tilespmem:s2], [sflag:$0x3], $0x8000, $0x38;
	[tilespmem:$0x10400] =	vst v63  }
0xf7: {  	_ =	swait.ge [sflag:s0], $0x8000  }
0xf8: {  	[sflag:s0] =	ssyncset.done $0x0  }
0xf9: {  	[sflag:s0] =	ssyncadd.s32 $0xFFFF8000  }
0xfa: {  	[tilespmem:s29], [sflag:$0x2] =	stream.linear.gather [hbm4b:s10+s2], $0x8000, $0x38;
	[tilespmem:$0x10400] =	vst v63  }
0xfb: {  	_ =	swait.ge [sflag:s30], $0x8000  }
0xfc: {  	[sflag:s30] =	ssyncset.done $0x0  }
0xfd: {  	[sflag:s30] =	ssyncadd.s32 $0xFFFF8000  }
0xfe: {  	v14 =	vld.idx.msk [tilespmem:v0+s29+$0x0], $0xffff  }
0xff: {  	v15 =	vld.idx.msk [tilespmem:v1+s29+$0x0], $0xffff;
	_ =	sdelay $0x4  }
0x100: {  	v16 =	vmul.f32 v14, v4;
	v17 =	vmul.f32 v15, v5  }
0x101: {  	v6 =	vmul.f32 v14, v5;
	v7 =	vmul.f32 v15, v4  }
0x102: {  	v8 =	vadd.f32 v17, v16  }
0x103: {  	v6 =	vsub.f32 v6, v7  }
0x104: {  	[tilespmem:v0+s29+$0x0] =	vst.idx.msk $0xffff, v8  }
0x105: {  	[tilespmem:v1+s29+$0x0] =	vst.idx.msk $0xffff, v6  }
0x106: {  	v6 =	vld.idx.msk [tilespmem:v2+s29+$0x0], $0xffff  }
0x107: {  	v18 =	vld.idx.msk [tilespmem:v3+s29+$0x0], $0xffff;
	_ =	sdelay $0x4  }
0x108: {  	v19 =	vmul.f32 v6, v4;
	v20 =	vmul.f32 v18, v5  }
0x109: {  	v6 =	vmul.f32 v6, v5;
	v7 =	vmul.f32 v18, v4  }
0x10a: {  	v8 =	vadd.f32 v20, v19  }
0x10b: {  	v6 =	vsub.f32 v6, v7  }
0x10c: {  	[tilespmem:v2+s29+$0x0] =	vst.idx.msk $0xffff, v8  }
0x10d: {  	[tilespmem:v3+s29+$0x0] =	vst.idx.msk $0xffff, v6  }
0x10e: {  	[hbm4b:s11+s2] =	stream.linear.scatter [tilespmem:s29], [sflag:$0x4], $0x8000, $0x38;
	[tilespmem:$0x10400] =	vst v63  }
0x10f: {  	_ =	swait.ge [sflag:s31], $0x8000  }
0x110: {  	[sflag:s31] =	ssyncset.done $0x0  }
0x111: {  	[sflag:s31] =	ssyncadd.s32 $0xFFFF8000  }
0x112: {  	[tilespmem:s2], [sflag:$0x1] =	stream.linear.gather [hbm4b:s12+s2], $0x8000, $0x38;
	[tilespmem:$0x10400] =	vst v63  }
0x113: {  	_ =	swait.ge [sflag:s28], $0x8000  }
0x114: {  	[sflag:s28] =	ssyncset.done $0x0  }
0x115: {  	[sflag:s28] =	ssyncadd.s32 $0xFFFF8000  }
0x116: {  	v21 =	vld.idx.msk [tilespmem:v0+s2+$0x0], $0xffff  }
0x117: {  	v22 =	vld.idx.msk [tilespmem:v1+s2+$0x0], $0xffff;
	_ =	sdelay $0x4  }
0x118: {  	v23 =	vmul.f32 v21, v4;
	v24 =	vmul.f32 v22, v5  }
0x119: {  	v6 =	vmul.f32 v21, v5;
	v7 =	vmul.f32 v22, v4  }
0x11a: {  	v8 =	vadd.f32 v24, v23  }
0x11b: {  	v6 =	vsub.f32 v6, v7  }
0x11c: {  	[tilespmem:v0+s2+$0x0] =	vst.idx.msk $0xffff, v8  }
0x11d: {  	[tilespmem:v1+s2+$0x0] =	vst.idx.msk $0xffff, v6  }
0x11e: {  	v6 =	vld.idx.msk [tilespmem:v2+s2+$0x0], $0xffff  }
0x11f: {  	v25 =	vld.idx.msk [tilespmem:v3+s2+$0x0], $0xffff;
	_ =	sdelay $0x4  }
0x120: {  	v26 =	vmul.f32 v6, v4;
	v27 =	vmul.f32 v25, v5  }
0x121: {  	v6 =	vmul.f32 v6, v5;
	v7 =	vmul.f32 v25, v4  }
0x122: {  	v8 =	vadd.f32 v27, v26  }
0x123: {  	v6 =	vsub.f32 v6, v7  }
0x124: {  	[tilespmem:v2+s2+$0x0] =	vst.idx.msk $0xffff, v8  }
0x125: {  	[tilespmem:v3+s2+$0x0] =	vst.idx.msk $0xffff, v6  }
0x126: {  	[hbm4b:s13+s2] =	stream.linear.scatter [tilespmem:s2], [sflag:$0x3], $0x8000, $0x38;
	[tilespmem:$0x10400] =	vst v63  }
0x127: {  	_ =	swait.ge [sflag:s0], $0x8000  }
0x128: {  	[sflag:s0] =	ssyncset.done $0x0  }
0x129: {  	[sflag:s0] =	ssyncadd.s32 $0xFFFF8000  }
0x12a: {  	[tilespmem:s29], [sflag:$0x2] =	stream.linear.gather [hbm4b:s14+s2], $0x8000, $0x38;
	[tilespmem:$0x10400] =	vst v63  }
0x12b: {  	_ =	swait.ge [sflag:s30], $0x8000  }
0x12c: {  	[sflag:s30] =	ssyncset.done $0x0  }
0x12d: {  	[sflag:s30] =	ssyncadd.s32 $0xFFFF8000  }
0x12e: {  	v28 =	vld.idx.msk [tilespmem:v0+s29+$0x0], $0xffff  }
0x12f: {  	v29 =	vld.idx.msk [tilespmem:v1+s29+$0x0], $0xffff;
	_ =	sdelay $0x4  }
0x130: {  	v30 =	vmul.f32 v28, v4;
	v31 =	vmul.f32 v29, v5  }
0x131: {  	v6 =	vmul.f32 v28, v5;
	v7 =	vmul.f32 v29, v4  }
0x132: {  	v8 =	vadd.f32 v31, v30  }
0x133: {  	v6 =	vsub.f32 v6, v7  }
0x134: {  	[tilespmem:v0+s29+$0x0] =	vst.idx.msk $0xffff, v8  }
0x135: {  	[tilespmem:v1+s29+$0x0] =	vst.idx.msk $0xffff, v6  }
0x136: {  	v6 =	vld.idx.msk [tilespmem:v2+s29+$0x0], $0xffff  }
0x137: {  	v32 =	vld.idx.msk [tilespmem:v3+s29+$0x0], $0xffff;
	_ =	sdelay $0x4  }
0x138: {  	v33 =	vmul.f32 v6, v4;
	v34 =	vmul.f32 v32, v5  }
0x139: {  	v6 =	vmul.f32 v6, v5;
	v7 =	vmul.f32 v32, v4  }
0x13a: {  	v8 =	vadd.f32 v34, v33  }
0x13b: {  	v6 =	vsub.f32 v6, v7  }
0x13c: {  	[tilespmem:v2+s29+$0x0] =	vst.idx.msk $0xffff, v8  }
0x13d: {  	[tilespmem:v3+s29+$0x0] =	vst.idx.msk $0xffff, v6  }
0x13e: {  	[hbm4b:s15+s2] =	stream.linear.scatter [tilespmem:s29], [sflag:$0x4], $0x8000, $0x38;
	[tilespmem:$0x10400] =	vst v63  }
0x13f: {  	_ =	swait.ge [sflag:s31], $0x8000  }
0x140: {  	[sflag:s31] =	ssyncset.done $0x0  }
0x141: {  	[sflag:s31] =	ssyncadd.s32 $0xFFFF8000  }
0x142: {  	[tilespmem:s2], [sflag:$0x1] =	stream.linear.gather [hbm4b:s16+s2], $0x8000, $0x38;
	[tilespmem:$0x10400] =	vst v63  }
0x143: {  	_ =	swait.ge [sflag:s28], $0x8000  }
0x144: {  	[sflag:s28] =	ssyncset.done $0x0  }
0x145: {  	[sflag:s28] =	ssyncadd.s32 $0xFFFF8000  }
0x146: {  	v35 =	vld.idx.msk [tilespmem:v0+s2+$0x0], $0xffff  }
0x147: {  	v36 =	vld.idx.msk [tilespmem:v1+s2+$0x0], $0xffff;
	_ =	sdelay $0x4  }
0x148: {  	v37 =	vmul.f32 v35, v4;
	v38 =	vmul.f32 v36, v5  }
0x149: {  	v6 =	vmul.f32 v35, v5;
	v7 =	vmul.f32 v36, v4  }
0x14a: {  	v8 =	vadd.f32 v38, v37  }
0x14b: {  	v6 =	vsub.f32 v6, v7  }
0x14c: {  	[tilespmem:v0+s2+$0x0] =	vst.idx.msk $0xffff, v8  }
0x14d: {  	[tilespmem:v1+s2+$0x0] =	vst.idx.msk $0xffff, v6  }
0x14e: {  	v6 =	vld.idx.msk [tilespmem:v2+s2+$0x0], $0xffff  }
0x14f: {  	v39 =	vld.idx.msk [tilespmem:v3+s2+$0x0], $0xffff;
	_ =	sdelay $0x4  }
0x150: {  	v40 =	vmul.f32 v6, v4;
	v41 =	vmul.f32 v39, v5  }
0x151: {  	v6 =	vmul.f32 v6, v5;
	v7 =	vmul.f32 v39, v4  }
0x152: {  	v8 =	vadd.f32 v41, v40  }
0x153: {  	v6 =	vsub.f32 v6, v7  }
0x154: {  	[tilespmem:v2+s2+$0x0] =	vst.idx.msk $0xffff, v8  }
0x155: {  	[tilespmem:v3+s2+$0x0] =	vst.idx.msk $0xffff, v6  }
0x156: {  	[hbm4b:s17+s2] =	stream.linear.scatter [tilespmem:s2], [sflag:$0x3], $0x8000, $0x38;
	[tilespmem:$0x10400] =	vst v63  }
0x157: {  	_ =	swait.ge [sflag:s0], $0x8000  }
0x158: {  	[sflag:s0] =	ssyncset.done $0x0  }
0x159: {  	[sflag:s0] =	ssyncadd.s32 $0xFFFF8000  }
0x15a: {  	[tilespmem:s29], [sflag:$0x2] =	stream.linear.gather [hbm4b:s18+s2], $0x8000, $0x38;
	[tilespmem:$0x10400] =	vst v63  }
0x15b: {  	_ =	swait.ge [sflag:s30], $0x8000  }
0x15c: {  	[sflag:s30] =	ssyncset.done $0x0  }
0x15d: {  	[sflag:s30] =	ssyncadd.s32 $0xFFFF8000  }
0x15e: {  	v42 =	vld.idx.msk [tilespmem:v0+s29+$0x0], $0xffff  }
0x15f: {  	v43 =	vld.idx.msk [tilespmem:v1+s29+$0x0], $0xffff;
	_ =	sdelay $0x4  }
0x160: {  	v44 =	vmul.f32 v42, v4;
	v45 =	vmul.f32 v43, v5  }
0x161: {  	v6 =	vmul.f32 v42, v5;
	v7 =	vmul.f32 v43, v4  }
0x162: {  	v8 =	vadd.f32 v45, v44  }
0x163: {  	v6 =	vsub.f32 v6, v7  }
0x164: {  	[tilespmem:v0+s29+$0x0] =	vst.idx.msk $0xffff, v8  }
0x165: {  	[tilespmem:v1+s29+$0x0] =	vst.idx.msk $0xffff, v6  }
0x166: {  	v6 =	vld.idx.msk [tilespmem:v2+s29+$0x0], $0xffff  }
0x167: {  	v46 =	vld.idx.msk [tilespmem:v3+s29+$0x0], $0xffff;
	_ =	sdelay $0x4  }
0x168: {  	v47 =	vmul.f32 v6, v4;
	v48 =	vmul.f32 v46, v5  }
0x169: {  	v6 =	vmul.f32 v6, v5;
	v7 =	vmul.f32 v46, v4  }
0x16a: {  	v8 =	vadd.f32 v48, v47  }
0x16b: {  	v6 =	vsub.f32 v6, v7  }
0x16c: {  	[tilespmem:v2+s29+$0x0] =	vst.idx.msk $0xffff, v8  }
0x16d: {  	[tilespmem:v3+s29+$0x0] =	vst.idx.msk $0xffff, v6  }
0x16e: {  	[hbm4b:s19+s2] =	stream.linear.scatter [tilespmem:s29], [sflag:$0x4], $0x8000, $0x38;
	[tilespmem:$0x10400] =	vst v63  }
0x16f: {  	_ =	swait.ge [sflag:s31], $0x8000  }
0x170: {  	[sflag:s31] =	ssyncset.done $0x0  }
0x171: {  	[sflag:s31] =	ssyncadd.s32 $0xFFFF8000  }
0x172: {  	[tilespmem:s2], [sflag:$0x1] =	stream.linear.gather [hbm4b:s20+s2], $0x8000, $0x38;
	[tilespmem:$0x10400] =	vst v63  }
0x173: {  	_ =	swait.ge [sflag:s28], $0x8000  }
0x174: {  	[sflag:s28] =	ssyncset.done $0x0  }
0x175: {  	[sflag:s28] =	ssyncadd.s32 $0xFFFF8000  }
0x176: {  	v49 =	vld.idx.msk [tilespmem:v0+s2+$0x0], $0xffff  }
0x177: {  	v50 =	vld.idx.msk [tilespmem:v1+s2+$0x0], $0xffff;
	_ =	sdelay $0x4  }
0x178: {  	v51 =	vmul.f32 v49, v4;
	v52 =	vmul.f32 v50, v5  }
0x179: {  	v6 =	vmul.f32 v49, v5;
	v7 =	vmul.f32 v50, v4  }
0x17a: {  	v8 =	vadd.f32 v52, v51  }
0x17b: {  	v6 =	vsub.f32 v6, v7  }
0x17c: {  	[tilespmem:v0+s2+$0x0] =	vst.idx.msk $0xffff, v8  }
0x17d: {  	[tilespmem:v1+s2+$0x0] =	vst.idx.msk $0xffff, v6  }
0x17e: {  	v6 =	vld.idx.msk [tilespmem:v2+s2+$0x0], $0xffff  }
0x17f: {  	v53 =	vld.idx.msk [tilespmem:v3+s2+$0x0], $0xffff;
	_ =	sdelay $0x4  }
0x180: {  	v54 =	vmul.f32 v6, v4;
	v55 =	vmul.f32 v53, v5  }
0x181: {  	v6 =	vmul.f32 v6, v5;
	v7 =	vmul.f32 v53, v4  }
0x182: {  	v8 =	vadd.f32 v55, v54  }
0x183: {  	v6 =	vsub.f32 v6, v7  }
0x184: {  	[tilespmem:v2+s2+$0x0] =	vst.idx.msk $0xffff, v8  }
0x185: {  	[tilespmem:v3+s2+$0x0] =	vst.idx.msk $0xffff, v6  }
0x186: {  	[hbm4b:s21+s2] =	stream.linear.scatter [tilespmem:s2], [sflag:$0x3], $0x8000, $0x38;
	[tilespmem:$0x10400] =	vst v63  }
0x187: {  	_ =	swait.ge [sflag:s0], $0x8000  }
0x188: {  	[sflag:s0] =	ssyncset.done $0x0  }
0x189: {  	[sflag:s0] =	ssyncadd.s32 $0xFFFF8000  }
0x18a: {  	[tilespmem:s29], [sflag:$0x2] =	stream.linear.gather [hbm4b:s22+s2], $0x8000, $0x38;
	[tilespmem:$0x10400] =	vst v63  }
0x18b: {  	_ =	swait.ge [sflag:s30], $0x8000  }
0x18c: {  	[sflag:s30] =	ssyncset.done $0x0  }
0x18d: {  	[sflag:s30] =	ssyncadd.s32 $0xFFFF8000  }
0x18e: {  	v56 =	vld.idx.msk [tilespmem:v0+s29+$0x0], $0xffff  }
0x18f: {  	v57 =	vld.idx.msk [tilespmem:v1+s29+$0x0], $0xffff;
	_ =	sdelay $0x4  }
0x190: {  	v58 =	vmul.f32 v56, v4;
	v59 =	vmul.f32 v57, v5  }
0x191: {  	v6 =	vmul.f32 v56, v5;
	v7 =	vmul.f32 v57, v4  }
0x192: {  	v8 =	vadd.f32 v59, v58  }
0x193: {  	v6 =	vsub.f32 v6, v7  }
0x194: {  	[tilespmem:v0+s29+$0x0] =	vst.idx.msk $0xffff, v8  }
0x195: {  	[tilespmem:v1+s29+$0x0] =	vst.idx.msk $0xffff, v6  }
0x196: {  	v6 =	vld.idx.msk [tilespmem:v2+s29+$0x0], $0xffff  }
0x197: {  	v60 =	vld.idx.msk [tilespmem:v3+s29+$0x0], $0xffff;
	_ =	sdelay $0x4  }
0x198: {  	v61 =	vmul.f32 v6, v4;
	v62 =	vmul.f32 v60, v5  }
0x199: {  	v5 =	vmul.f32 v6, v5;
	v4 =	vmul.f32 v60, v4  }
0x19a: {  	v63 =	vadd.f32 v62, v61  }
0x19b: {  	v4 =	vsub.f32 v5, v4  }
0x19c: {  	[tilespmem:v2+s29+$0x0] =	vst.idx.msk $0xffff, v63  }
0x19d: {  	[tilespmem:v3+s29+$0x0] =	vst.idx.msk $0xffff, v4  }
0x19e: {  	[hbm4b:s23+s2] =	stream.linear.scatter [tilespmem:s29], [sflag:$0x4], $0x8000, $0x38;
	[tilespmem:$0x10400] =	vst v63  }
0x19f: {  	p0 =	sne.s32 s24, $0x1;
	_ =	swait.ge [sflag:s31], $0x8000  }
.Ltmp0:
0x1a0: {  	[sflag:s31] =	ssyncset.done $0x0;
	(pc) =	sbr.rel @p0 .LBB2_1-.Ltmp0, $4  }
0x1a1: {  	[sflag:s31] =	ssyncadd.s32 $0xFFFF8000  }
0x1a2: {  	_ =	swait.ge [sflag:s0], $0x8000  }
0x1a3: {  	[sflag:s0] =	ssyncset.done $0x0  }
0x1a4: {  	s24 =	sadd.s32 $0xFFFFFFFF, s24;
	[sflag:s0] =	ssyncadd.s32 $0xFFFF8000  }
0x1a5: {  	_ =	sfence.sel $0x180000  }
0x1a6: {  	[bflag:$0x0] =	sbarrier.arrive $0xFFFF  }
0x1a7: {  	_ =	strace $0x90000047  }
0x1a8: {  	s0 =	stileid.u32;
	[bflag:$0x2] =	sbarrier.arrive $0xFFFF  }
0x1a9: {  	p0 =	sne.s32 s0, $0x0;
	s0 =	rddreg [dreg:$0x3]  }
0x1aa: {  	s0 =	sadd.s32 @!p0 $0x100000, s0  }
0x1ab: {  	[sflag:s0] =	ssyncadd.tile.s32 @!p0 $0x1;
	_ =	shalt  }
.Lfunc_end2:
_tile_overlayer_lowered:
.L_overlay_start_2:
0x1ac: {  	(tag) =	ssettag $0x2  }
0x1ad: {  	s0 =	rddreg [dreg:$0x0];
	s2 =	stileid.u32  }
0x1ae: {  	s1 =	rddreg [dreg:$0x1];
	p0 =	sne.s32 s2, $0x0  }
0x1af: {  	s3 =	rddreg [dreg:$0x2];
	[bflag:$0x3] =	sbarrier.arrive $0xFFFF;
	s2 =	simm.s32 @!p0 $0x1C05  }
0x1b0: {  	[timem:s3], [sflag:s2] =	dma.local @!p0 [hbm:s0], s1  }
0x1b1: {  	s0 =	simm.s32 @!p0 $0x5  }
0x1b2: {  	_ =	swait.ge @!p0 [sflag:s0], s1  }
0x1b3: {  	s1 =	ssub.s32 @!p0 $0x0, s1;
	[sflag:s0] =	ssyncset.done @!p0 $0x0  }
0x1b4: {  	[sflag:s0] =	ssyncadd.s32 @!p0 s1  }
0x1b5: {  	[bflag:$0x3] =	sbarrier.arrive $0xFFFF  }
0x1b6: {  	_ =	shalt  }

</sc_bundles>
